<compile_context>
chip_gen: v7x
topology: tpu7x:2x2x1
jax: 0.10.2.dev20260603
libtpu: 0.0.44.dev20260713+nightly
codegen_flags: <defaults>
</compile_context>

<pallas_src>
import functools

import jax
import jax.numpy as jnp
from jax import lax
from jax.experimental import pallas as pl
from jax.experimental.pallas import tpu as pltpu
from jax.experimental.pallas import tpu_sc as plsc

NUM_CORES = 2
NUM_SUBCORES = 16
NUM_WORKERS = NUM_CORES * NUM_SUBCORES
CHUNK_B = 4
NBUF = 8
LOOKAHEAD = 4


@functools.lru_cache(maxsize=None)
def _make_gather(n_b, h, d):
    b_per_w = n_b // NUM_WORKERS
    n_per_w = b_per_w * h
    chunk = CHUNK_B * h
    n_chunks = b_per_w // CHUNK_B
    nbuf = NBUF
    la = LOOKAHEAD
    assert b_per_w % (nbuf * CHUNK_B) == 0
    mesh = plsc.VectorSubcoreMesh(
        core_axis_name="c", subcore_axis_name="s",
        num_cores=NUM_CORES, num_subcores=NUM_SUBCORES)

    @functools.partial(
        pl.kernel,
        mesh=mesh,
        out_type=jax.ShapeDtypeStruct((n_b * h, d), jnp.float32),
        scratch_types=[
            pltpu.VMEM((n_per_w,), jnp.int32),
            [pltpu.VMEM((chunk, d), jnp.float32) for _ in range(nbuf)],
            [pltpu.SemaphoreType.DMA for _ in range(nbuf)],
            [pltpu.SemaphoreType.DMA for _ in range(nbuf)],
        ],
        compiler_params=pltpu.CompilerParams(use_tc_tiling_on_sc=False),
    )
    def gather_kernel(table_hbm, idx_hbm, out_hbm, idx_v, rows, gsem, ssem):
        wid = lax.axis_index("s") * NUM_CORES + lax.axis_index("c")
        base = wid * n_per_w

        def start_gather(t, rb):
            pltpu.async_copy(
                table_hbm.at[idx_v.at[pl.ds(t * chunk, chunk)]],
                rows[rb], gsem[rb])

        def wait_gather(t, rb):
            pltpu.make_async_copy(
                table_hbm.at[idx_v.at[pl.ds(t * chunk, chunk)]],
                rows[rb], gsem[rb]).wait()

        def start_store(t, rb):
            pltpu.async_copy(
                rows[rb], out_hbm.at[pl.ds(base + t * chunk, chunk), :],
                ssem[rb])

        def wait_store(t, rb):
            pltpu.make_async_copy(
                rows[rb], out_hbm.at[pl.ds(base + t * chunk, chunk), :],
                ssem[rb]).wait()

        pltpu.sync_copy(idx_hbm.at[pl.ds(base, n_per_w)], idx_v)

        for t0 in range(la):
            start_gather(t0, t0)

        def ring_body(p, carry):
            for q in range(nbuf):
                t = p * nbuf + q
                wait_gather(t, q)
                start_store(t, q)
                nq = (q + la) % nbuf

                @pl.when(t >= nbuf - la)
                def _():
                    wait_store(t - (nbuf - la), nq)

                @pl.when(t + la < n_chunks)
                def _():
                    start_gather(t + la, nq)
            return carry

        lax.fori_loop(0, n_chunks // nbuf, ring_body, 0)
        for tt in range(n_chunks - (nbuf - la), n_chunks):
            wait_store(tt, tt % nbuf)

    return gather_kernel


def kernel(label, bb, table):
    del bb
    b, h = label.shape
    idx = label.reshape(b * h).astype(jnp.int32)
    out = _make_gather(b, h, table.shape[1])(table, idx)
    return out.reshape(b, h, table.shape[1])

# --- scband reference (transcript-rebuilt; emitter-appended) ---
"""Pipeline reference for scband-embeddings-15908558865251 (READ-ONLY COPY).

The authoritative reference and input builder live on the scoring server;
editing this copy changes nothing except your own understanding.
"""

import jax, jax.numpy as jnp
import numpy as np

D_MODEL = 64
NUM_LABEL = 1000000
BATCH = 16384
HIST = 50

def setup_inputs(seed: int = 0) -> dict:
    key = jax.random.key(seed)
    k1, k2, k3 = jax.random.split(key, 3)
    label = jax.random.randint(k1, (BATCH, HIST), 0, NUM_LABEL, dtype=jnp.int64 if jax.config.jax_enable_x64 else jnp.int32)
    bb = jax.random.uniform(k2, (BATCH, HIST, 4), dtype=jnp.float32)
    table = jax.random.normal(k3, (NUM_LABEL, D_MODEL), dtype=jnp.float32) * 0.02
    return {"label": label, "bb": bb, "table": table}

def reference(label, bb, table):
    # Embeddings.forward: return self.label_embedding(label); bb is ignored
    return jnp.take(table, label, axis=0)

if __name__ == "__main__":
    import jax
    _d = setup_inputs()
    print(jax.jit(kernel)(*tuple(_d.values())))

</pallas_src>

<mosaic_0001>
#map = affine_map<(d0, d1) -> (0, 0)>
#map1 = affine_map<(d0, d1) -> (0)>
module attributes {stable_mosaic.version = 14 : i64} {
  func.func @gather_kernel(%arg0: i32, %arg1: i32, %arg2: memref<1000000x64xf32, #tpu.memory_space<hbm>>, %arg3: memref<819200xi32, #tpu.memory_space<hbm>>, %arg4: memref<819200x64xf32, #tpu.memory_space<hbm>>, %arg5: memref<25600xi32, #tpu.memory_space<vmem>>, %arg6: memref<200x64xf32, #tpu.memory_space<vmem>>, %arg7: memref<200x64xf32, #tpu.memory_space<vmem>>, %arg8: memref<200x64xf32, #tpu.memory_space<vmem>>, %arg9: memref<200x64xf32, #tpu.memory_space<vmem>>, %arg10: memref<200x64xf32, #tpu.memory_space<vmem>>, %arg11: memref<200x64xf32, #tpu.memory_space<vmem>>, %arg12: memref<200x64xf32, #tpu.memory_space<vmem>>, %arg13: memref<200x64xf32, #tpu.memory_space<vmem>>, %arg14: memref<!tpu.dma_semaphore, #tpu.memory_space<semaphore_mem>>, %arg15: memref<!tpu.dma_semaphore, #tpu.memory_space<semaphore_mem>>, %arg16: memref<!tpu.dma_semaphore, #tpu.memory_space<semaphore_mem>>, %arg17: memref<!tpu.dma_semaphore, #tpu.memory_space<semaphore_mem>>, %arg18: memref<!tpu.dma_semaphore, #tpu.memory_space<semaphore_mem>>, %arg19: memref<!tpu.dma_semaphore, #tpu.memory_space<semaphore_mem>>, %arg20: memref<!tpu.dma_semaphore, #tpu.memory_space<semaphore_mem>>, %arg21: memref<!tpu.dma_semaphore, #tpu.memory_space<semaphore_mem>>, %arg22: memref<!tpu.dma_semaphore, #tpu.memory_space<semaphore_mem>>, %arg23: memref<!tpu.dma_semaphore, #tpu.memory_space<semaphore_mem>>, %arg24: memref<!tpu.dma_semaphore, #tpu.memory_space<semaphore_mem>>, %arg25: memref<!tpu.dma_semaphore, #tpu.memory_space<semaphore_mem>>, %arg26: memref<!tpu.dma_semaphore, #tpu.memory_space<semaphore_mem>>, %arg27: memref<!tpu.dma_semaphore, #tpu.memory_space<semaphore_mem>>, %arg28: memref<!tpu.dma_semaphore, #tpu.memory_space<semaphore_mem>>, %arg29: memref<!tpu.dma_semaphore, #tpu.memory_space<semaphore_mem>>) attributes {dimension_semantics = [#tpu.dimension_semantics<core_parallel>, #tpu.dimension_semantics<subcore_parallel>], iteration_bounds = array<i64: 2, 16>, scalar_prefetch = 0 : i64, scratch_operands = 25 : i64, tpu.core_type = #tpu.core_type<sc_vector_subcore>, window_params = [{transform_indices = #map}, {transform_indices = #map1}, {transform_indices = #map}]} {
    %mul3A = arith.constant 2 : i32
    %mul3A_0 = arith.muli %arg1, %mul3A : i32
    %add3A = arith.addi %mul3A_0, %arg0 : i32
    %mul3A_1 = arith.constant 25600 : i32
    %mul3A_2 = arith.muli %add3A, %mul3A_1 : i32
    "tpu.region"() ({
      %run_scoped3A = tpu.sem_alloc : memref<!tpu.dma_semaphore, #tpu.memory_space<semaphore_mem>>
      %dma_start3A_50 = tpu.memref_slice %arg3[%mul3A_2] : memref<819200xi32, #tpu.memory_space<hbm>> -> memref<25600xi32, #tpu.memory_space<hbm>>
      %dma_start3A_51 = tpu.memref_slice %arg3[%mul3A_2] : memref<819200xi32, #tpu.memory_space<hbm>> -> memref<25600xi32, #tpu.memory_space<hbm>>
      tpu.enqueue_dma source(%dma_start3A_51 : memref<25600xi32, #tpu.memory_space<hbm>>) target(%arg5 : memref<25600xi32, #tpu.memory_space<vmem>>) target_semaphore(%run_scoped3A : memref<!tpu.dma_semaphore, #tpu.memory_space<semaphore_mem>>)
      %dma_wait3A_52 = tpu.memref_slice %arg3[%mul3A_2] : memref<819200xi32, #tpu.memory_space<hbm>> -> memref<25600xi32, #tpu.memory_space<hbm>>
      %dma_wait3A_53 = tpu.memref_slice %arg3[%mul3A_2] : memref<819200xi32, #tpu.memory_space<hbm>> -> memref<25600xi32, #tpu.memory_space<hbm>>
      tpu.wait_dma2 semaphore(%run_scoped3A : memref<!tpu.dma_semaphore, #tpu.memory_space<semaphore_mem>>) src(%dma_wait3A_53 : memref<25600xi32, #tpu.memory_space<hbm>>) dst(%arg5 : memref<25600xi32, #tpu.memory_space<vmem>>)
      tpu.yield
    }) : () -> ()
    %dma_start3A = arith.constant 0 : i32
    %dma_start3A_3 = tpu.memref_slice %arg5[%dma_start3A] : memref<25600xi32, #tpu.memory_space<vmem>> -> memref<200xi32, #tpu.memory_space<vmem>>
    %dma_start3A_4 = arith.constant 0 : i32
    %dma_start3A_5 = arith.constant 0 : i32
    %dma_start3A_6 = tpu.memref_slice %arg2[%dma_start3A_4, %dma_start3A_5] : memref<1000000x64xf32, #tpu.memory_space<hbm>> -> memref<1000000x64xf32, #tpu.memory_space<hbm>>
    tpu.enqueue_indirect_dma source(%dma_start3A_6 : memref<1000000x64xf32, #tpu.memory_space<hbm>>) target(%arg6 : memref<200x64xf32, #tpu.memory_space<vmem>>) offsets(%dma_start3A_3 : memref<200xi32, #tpu.memory_space<vmem>>) semaphore(%arg14 : memref<!tpu.dma_semaphore, #tpu.memory_space<semaphore_mem>>)
    %dma_start3A_7 = arith.constant 200 : i32
    %dma_start3A_8 = tpu.memref_slice %arg5[%dma_start3A_7] : memref<25600xi32, #tpu.memory_space<vmem>> -> memref<200xi32, #tpu.memory_space<vmem>>
    %dma_start3A_9 = arith.constant 0 : i32
    %dma_start3A_10 = arith.constant 0 : i32
    %dma_start3A_11 = tpu.memref_slice %arg2[%dma_start3A_9, %dma_start3A_10] : memref<1000000x64xf32, #tpu.memory_space<hbm>> -> memref<1000000x64xf32, #tpu.memory_space<hbm>>
    tpu.enqueue_indirect_dma source(%dma_start3A_11 : memref<1000000x64xf32, #tpu.memory_space<hbm>>) target(%arg7 : memref<200x64xf32, #tpu.memory_space<vmem>>) offsets(%dma_start3A_8 : memref<200xi32, #tpu.memory_space<vmem>>) semaphore(%arg15 : memref<!tpu.dma_semaphore, #tpu.memory_space<semaphore_mem>>)
    %dma_start3A_12 = arith.constant 400 : i32
    %dma_start3A_13 = tpu.memref_slice %arg5[%dma_start3A_12] : memref<25600xi32, #tpu.memory_space<vmem>> -> memref<200xi32, #tpu.memory_space<vmem>>
    %dma_start3A_14 = arith.constant 0 : i32
    %dma_start3A_15 = arith.constant 0 : i32
    %dma_start3A_16 = tpu.memref_slice %arg2[%dma_start3A_14, %dma_start3A_15] : memref<1000000x64xf32, #tpu.memory_space<hbm>> -> memref<1000000x64xf32, #tpu.memory_space<hbm>>
    tpu.enqueue_indirect_dma source(%dma_start3A_16 : memref<1000000x64xf32, #tpu.memory_space<hbm>>) target(%arg8 : memref<200x64xf32, #tpu.memory_space<vmem>>) offsets(%dma_start3A_13 : memref<200xi32, #tpu.memory_space<vmem>>) semaphore(%arg16 : memref<!tpu.dma_semaphore, #tpu.memory_space<semaphore_mem>>)
    %dma_start3A_17 = arith.constant 600 : i32
    %dma_start3A_18 = tpu.memref_slice %arg5[%dma_start3A_17] : memref<25600xi32, #tpu.memory_space<vmem>> -> memref<200xi32, #tpu.memory_space<vmem>>
    %dma_start3A_19 = arith.constant 0 : i32
    %dma_start3A_20 = arith.constant 0 : i32
    %dma_start3A_21 = tpu.memref_slice %arg2[%dma_start3A_19, %dma_start3A_20] : memref<1000000x64xf32, #tpu.memory_space<hbm>> -> memref<1000000x64xf32, #tpu.memory_space<hbm>>
    tpu.enqueue_indirect_dma source(%dma_start3A_21 : memref<1000000x64xf32, #tpu.memory_space<hbm>>) target(%arg9 : memref<200x64xf32, #tpu.memory_space<vmem>>) offsets(%dma_start3A_18 : memref<200xi32, #tpu.memory_space<vmem>>) semaphore(%arg17 : memref<!tpu.dma_semaphore, #tpu.memory_space<semaphore_mem>>)
    %scan3A = arith.constant 0 : i32
    %scan3A_22 = arith.constant 0 : i32
    %scan3A_23 = arith.constant 16 : i32
    %scan3A_24 = arith.addi %scan3A_22, %scan3A_23 : i32
    %scan3A_25 = arith.constant 1 : i32
    scf.for %scan3A_50 = %scan3A_22 to %scan3A_24 step %scan3A_25  : i32 {
      %mul3A_51 = arith.constant 8 : i32
      %mul3A_52 = arith.muli %scan3A_50, %mul3A_51 : i32
      %add3A_53 = arith.constant 0 : i32
      %add3A_54 = arith.addi %mul3A_52, %add3A_53 : i32
      %mul3A_55 = arith.constant 200 : i32
      %mul3A_56 = arith.muli %add3A_54, %mul3A_55 : i32
      %dma_wait3A_57 = tpu.memref_slice %arg5[%mul3A_56] : memref<25600xi32, #tpu.memory_space<vmem>> -> memref<200xi32, #tpu.memory_space<vmem>>
      %dma_wait3A_58 = arith.constant 0 : i32
      %dma_wait3A_59 = arith.constant 0 : i32
      %dma_wait3A_60 = tpu.memref_slice %arg2[%dma_wait3A_58, %dma_wait3A_59] : memref<1000000x64xf32, #tpu.memory_space<hbm>> -> memref<1000000x64xf32, #tpu.memory_space<hbm>>
      tpu.wait_indirect_dma semaphore(%arg14 : memref<!tpu.dma_semaphore, #tpu.memory_space<semaphore_mem>>) src(%dma_wait3A_60 : memref<1000000x64xf32, #tpu.memory_space<hbm>>) dst(%arg6 : memref<200x64xf32, #tpu.memory_space<vmem>>)
      %mul3A_61 = arith.constant 200 : i32
      %mul3A_62 = arith.muli %add3A_54, %mul3A_61 : i32
      %add3A_63 = arith.addi %mul3A_2, %mul3A_62 : i32
      %dma_start3A_64 = arith.constant 0 : i32
      %dma_start3A_65 = tpu.memref_slice %arg4[%add3A_63, %dma_start3A_64] : memref<819200x64xf32, #tpu.memory_space<hbm>> -> memref<200x64xf32, #tpu.memory_space<hbm>>
      %dma_start3A_66 = arith.constant 0 : i32
      %dma_start3A_67 = tpu.memref_slice %arg4[%add3A_63, %dma_start3A_66] : memref<819200x64xf32, #tpu.memory_space<hbm>> -> memref<200x64xf32, #tpu.memory_space<hbm>>
      tpu.enqueue_dma source(%arg6 : memref<200x64xf32, #tpu.memory_space<vmem>>) target(%dma_start3A_67 : memref<200x64xf32, #tpu.memory_space<hbm>>) target_semaphore(%arg22 : memref<!tpu.dma_semaphore, #tpu.memory_space<semaphore_mem>>)
      %ge3A = arith.constant 4 : i32
      %ge3A_68 = arith.cmpi sge, %add3A_54, %ge3A : i32
      %convert_element_type3A = arith.extui %ge3A_68 : i1 to i32
      %cond3A = arith.constant 0 : i32
      %cond3A_69 = arith.cmpi ne, %convert_element_type3A, %cond3A : i32
      scf.if %cond3A_69 {
        %sub3A = arith.constant 4 : i32
        %sub3A_279 = arith.subi %add3A_54, %sub3A : i32
        %mul3A_280 = arith.constant 200 : i32
        %mul3A_281 = arith.muli %sub3A_279, %mul3A_280 : i32
        %add3A_282 = arith.addi %mul3A_2, %mul3A_281 : i32
        %dma_wait3A_283 = arith.constant 0 : i32
        %dma_wait3A_284 = tpu.memref_slice %arg4[%add3A_282, %dma_wait3A_283] : memref<819200x64xf32, #tpu.memory_space<hbm>> -> memref<200x64xf32, #tpu.memory_space<hbm>>
        %dma_wait3A_285 = arith.constant 0 : i32
        %dma_wait3A_286 = tpu.memref_slice %arg4[%add3A_282, %dma_wait3A_285] : memref<819200x64xf32, #tpu.memory_space<hbm>> -> memref<200x64xf32, #tpu.memory_space<hbm>>
        tpu.wait_dma2 semaphore(%arg26 : memref<!tpu.dma_semaphore, #tpu.memory_space<semaphore_mem>>) src(%arg10 : memref<200x64xf32, #tpu.memory_space<vmem>>) dst(%dma_wait3A_286 : memref<200x64xf32, #tpu.memory_space<hbm>>)
      } else {
      }
      %add3A_70 = arith.constant 4 : i32
      %add3A_71 = arith.addi %add3A_54, %add3A_70 : i32
      %lt3A = arith.constant 128 : i32
      %lt3A_72 = arith.cmpi slt, %add3A_71, %lt3A : i32
      %convert_element_type3A_73 = arith.extui %lt3A_72 : i1 to i32
      %cond3A_74 = arith.constant 0 : i32
      %cond3A_75 = arith.cmpi ne, %convert_element_type3A_73, %cond3A_74 : i32
      scf.if %cond3A_75 {
        %add3A_279 = arith.constant 4 : i32
        %add3A_280 = arith.addi %add3A_54, %add3A_279 : i32
        %mul3A_281 = arith.constant 200 : i32
        %mul3A_282 = arith.muli %add3A_280, %mul3A_281 : i32
        %dma_start3A_283 = tpu.memref_slice %arg5[%mul3A_282] : memref<25600xi32, #tpu.memory_space<vmem>> -> memref<200xi32, #tpu.memory_space<vmem>>
        %dma_start3A_284 = arith.constant 0 : i32
        %dma_start3A_285 = arith.constant 0 : i32
        %dma_start3A_286 = tpu.memref_slice %arg2[%dma_start3A_284, %dma_start3A_285] : memref<1000000x64xf32, #tpu.memory_space<hbm>> -> memref<1000000x64xf32, #tpu.memory_space<hbm>>
        tpu.enqueue_indirect_dma source(%dma_start3A_286 : memref<1000000x64xf32, #tpu.memory_space<hbm>>) target(%arg10 : memref<200x64xf32, #tpu.memory_space<vmem>>) offsets(%dma_start3A_283 : memref<200xi32, #tpu.memory_space<vmem>>) semaphore(%arg18 : memref<!tpu.dma_semaphore, #tpu.memory_space<semaphore_mem>>)
      } else {
      }
      %mul3A_76 = arith.constant 8 : i32
      %mul3A_77 = arith.muli %scan3A_50, %mul3A_76 : i32
      %add3A_78 = arith.constant 1 : i32
      %add3A_79 = arith.addi %mul3A_77, %add3A_78 : i32
      %mul3A_80 = arith.constant 200 : i32
      %mul3A_81 = arith.muli %add3A_79, %mul3A_80 : i32
      %dma_wait3A_82 = tpu.memref_slice %arg5[%mul3A_81] : memref<25600xi32, #tpu.memory_space<vmem>> -> memref<200xi32, #tpu.memory_space<vmem>>
      %dma_wait3A_83 = arith.constant 0 : i32
      %dma_wait3A_84 = arith.constant 0 : i32
      %dma_wait3A_85 = tpu.memref_slice %arg2[%dma_wait3A_83, %dma_wait3A_84] : memref<1000000x64xf32, #tpu.memory_space<hbm>> -> memref<1000000x64xf32, #tpu.memory_space<hbm>>
      tpu.wait_indirect_dma semaphore(%arg15 : memref<!tpu.dma_semaphore, #tpu.memory_space<semaphore_mem>>) src(%dma_wait3A_85 : memref<1000000x64xf32, #tpu.memory_space<hbm>>) dst(%arg7 : memref<200x64xf32, #tpu.memory_space<vmem>>)
      %mul3A_86 = arith.constant 200 : i32
      %mul3A_87 = arith.muli %add3A_79, %mul3A_86 : i32
      %add3A_88 = arith.addi %mul3A_2, %mul3A_87 : i32
      %dma_start3A_89 = arith.constant 0 : i32
      %dma_start3A_90 = tpu.memref_slice %arg4[%add3A_88, %dma_start3A_89] : memref<819200x64xf32, #tpu.memory_space<hbm>> -> memref<200x64xf32, #tpu.memory_space<hbm>>
      %dma_start3A_91 = arith.constant 0 : i32
      %dma_start3A_92 = tpu.memref_slice %arg4[%add3A_88, %dma_start3A_91] : memref<819200x64xf32, #tpu.memory_space<hbm>> -> memref<200x64xf32, #tpu.memory_space<hbm>>
      tpu.enqueue_dma source(%arg7 : memref<200x64xf32, #tpu.memory_space<vmem>>) target(%dma_start3A_92 : memref<200x64xf32, #tpu.memory_space<hbm>>) target_semaphore(%arg23 : memref<!tpu.dma_semaphore, #tpu.memory_space<semaphore_mem>>)
      %ge3A_93 = arith.constant 4 : i32
      %ge3A_94 = arith.cmpi sge, %add3A_79, %ge3A_93 : i32
      %convert_element_type3A_95 = arith.extui %ge3A_94 : i1 to i32
      %cond3A_96 = arith.constant 0 : i32
      %cond3A_97 = arith.cmpi ne, %convert_element_type3A_95, %cond3A_96 : i32
      scf.if %cond3A_97 {
        %sub3A = arith.constant 4 : i32
        %sub3A_279 = arith.subi %add3A_79, %sub3A : i32
        %mul3A_280 = arith.constant 200 : i32
        %mul3A_281 = arith.muli %sub3A_279, %mul3A_280 : i32
        %add3A_282 = arith.addi %mul3A_2, %mul3A_281 : i32
        %dma_wait3A_283 = arith.constant 0 : i32
        %dma_wait3A_284 = tpu.memref_slice %arg4[%add3A_282, %dma_wait3A_283] : memref<819200x64xf32, #tpu.memory_space<hbm>> -> memref<200x64xf32, #tpu.memory_space<hbm>>
        %dma_wait3A_285 = arith.constant 0 : i32
        %dma_wait3A_286 = tpu.memref_slice %arg4[%add3A_282, %dma_wait3A_285] : memref<819200x64xf32, #tpu.memory_space<hbm>> -> memref<200x64xf32, #tpu.memory_space<hbm>>
        tpu.wait_dma2 semaphore(%arg27 : memref<!tpu.dma_semaphore, #tpu.memory_space<semaphore_mem>>) src(%arg11 : memref<200x64xf32, #tpu.memory_space<vmem>>) dst(%dma_wait3A_286 : memref<200x64xf32, #tpu.memory_space<hbm>>)
      } else {
      }
      %add3A_98 = arith.constant 4 : i32
      %add3A_99 = arith.addi %add3A_79, %add3A_98 : i32
      %lt3A_100 = arith.constant 128 : i32
      %lt3A_101 = arith.cmpi slt, %add3A_99, %lt3A_100 : i32
      %convert_element_type3A_102 = arith.extui %lt3A_101 : i1 to i32
      %cond3A_103 = arith.constant 0 : i32
      %cond3A_104 = arith.cmpi ne, %convert_element_type3A_102, %cond3A_103 : i32
      scf.if %cond3A_104 {
        %add3A_279 = arith.constant 4 : i32
        %add3A_280 = arith.addi %add3A_79, %add3A_279 : i32
        %mul3A_281 = arith.constant 200 : i32
        %mul3A_282 = arith.muli %add3A_280, %mul3A_281 : i32
        %dma_start3A_283 = tpu.memref_slice %arg5[%mul3A_282] : memref<25600xi32, #tpu.memory_space<vmem>> -> memref<200xi32, #tpu.memory_space<vmem>>
        %dma_start3A_284 = arith.constant 0 : i32
        %dma_start3A_285 = arith.constant 0 : i32
        %dma_start3A_286 = tpu.memref_slice %arg2[%dma_start3A_284, %dma_start3A_285] : memref<1000000x64xf32, #tpu.memory_space<hbm>> -> memref<1000000x64xf32, #tpu.memory_space<hbm>>
        tpu.enqueue_indirect_dma source(%dma_start3A_286 : memref<1000000x64xf32, #tpu.memory_space<hbm>>) target(%arg11 : memref<200x64xf32, #tpu.memory_space<vmem>>) offsets(%dma_start3A_283 : memref<200xi32, #tpu.memory_space<vmem>>) semaphore(%arg19 : memref<!tpu.dma_semaphore, #tpu.memory_space<semaphore_mem>>)
      } else {
      }
      %mul3A_105 = arith.constant 8 : i32
      %mul3A_106 = arith.muli %scan3A_50, %mul3A_105 : i32
      %add3A_107 = arith.constant 2 : i32
      %add3A_108 = arith.addi %mul3A_106, %add3A_107 : i32
      %mul3A_109 = arith.constant 200 : i32
      %mul3A_110 = arith.muli %add3A_108, %mul3A_109 : i32
      %dma_wait3A_111 = tpu.memref_slice %arg5[%mul3A_110] : memref<25600xi32, #tpu.memory_space<vmem>> -> memref<200xi32, #tpu.memory_space<vmem>>
      %dma_wait3A_112 = arith.constant 0 : i32
      %dma_wait3A_113 = arith.constant 0 : i32
      %dma_wait3A_114 = tpu.memref_slice %arg2[%dma_wait3A_112, %dma_wait3A_113] : memref<1000000x64xf32, #tpu.memory_space<hbm>> -> memref<1000000x64xf32, #tpu.memory_space<hbm>>
      tpu.wait_indirect_dma semaphore(%arg16 : memref<!tpu.dma_semaphore, #tpu.memory_space<semaphore_mem>>) src(%dma_wait3A_114 : memref<1000000x64xf32, #tpu.memory_space<hbm>>) dst(%arg8 : memref<200x64xf32, #tpu.memory_space<vmem>>)
      %mul3A_115 = arith.constant 200 : i32
      %mul3A_116 = arith.muli %add3A_108, %mul3A_115 : i32
      %add3A_117 = arith.addi %mul3A_2, %mul3A_116 : i32
      %dma_start3A_118 = arith.constant 0 : i32
      %dma_start3A_119 = tpu.memref_slice %arg4[%add3A_117, %dma_start3A_118] : memref<819200x64xf32, #tpu.memory_space<hbm>> -> memref<200x64xf32, #tpu.memory_space<hbm>>
      %dma_start3A_120 = arith.constant 0 : i32
      %dma_start3A_121 = tpu.memref_slice %arg4[%add3A_117, %dma_start3A_120] : memref<819200x64xf32, #tpu.memory_space<hbm>> -> memref<200x64xf32, #tpu.memory_space<hbm>>
      tpu.enqueue_dma source(%arg8 : memref<200x64xf32, #tpu.memory_space<vmem>>) target(%dma_start3A_121 : memref<200x64xf32, #tpu.memory_space<hbm>>) target_semaphore(%arg24 : memref<!tpu.dma_semaphore, #tpu.memory_space<semaphore_mem>>)
      %ge3A_122 = arith.constant 4 : i32
      %ge3A_123 = arith.cmpi sge, %add3A_108, %ge3A_122 : i32
      %convert_element_type3A_124 = arith.extui %ge3A_123 : i1 to i32
      %cond3A_125 = arith.constant 0 : i32
      %cond3A_126 = arith.cmpi ne, %convert_element_type3A_124, %cond3A_125 : i32
      scf.if %cond3A_126 {
        %sub3A = arith.constant 4 : i32
        %sub3A_279 = arith.subi %add3A_108, %sub3A : i32
        %mul3A_280 = arith.constant 200 : i32
        %mul3A_281 = arith.muli %sub3A_279, %mul3A_280 : i32
        %add3A_282 = arith.addi %mul3A_2, %mul3A_281 : i32
        %dma_wait3A_283 = arith.constant 0 : i32
        %dma_wait3A_284 = tpu.memref_slice %arg4[%add3A_282, %dma_wait3A_283] : memref<819200x64xf32, #tpu.memory_space<hbm>> -> memref<200x64xf32, #tpu.memory_space<hbm>>
        %dma_wait3A_285 = arith.constant 0 : i32
        %dma_wait3A_286 = tpu.memref_slice %arg4[%add3A_282, %dma_wait3A_285] : memref<819200x64xf32, #tpu.memory_space<hbm>> -> memref<200x64xf32, #tpu.memory_space<hbm>>
        tpu.wait_dma2 semaphore(%arg28 : memref<!tpu.dma_semaphore, #tpu.memory_space<semaphore_mem>>) src(%arg12 : memref<200x64xf32, #tpu.memory_space<vmem>>) dst(%dma_wait3A_286 : memref<200x64xf32, #tpu.memory_space<hbm>>)
      } else {
      }
      %add3A_127 = arith.constant 4 : i32
      %add3A_128 = arith.addi %add3A_108, %add3A_127 : i32
      %lt3A_129 = arith.constant 128 : i32
      %lt3A_130 = arith.cmpi slt, %add3A_128, %lt3A_129 : i32
      %convert_element_type3A_131 = arith.extui %lt3A_130 : i1 to i32
      %cond3A_132 = arith.constant 0 : i32
      %cond3A_133 = arith.cmpi ne, %convert_element_type3A_131, %cond3A_132 : i32
      scf.if %cond3A_133 {
        %add3A_279 = arith.constant 4 : i32
        %add3A_280 = arith.addi %add3A_108, %add3A_279 : i32
        %mul3A_281 = arith.constant 200 : i32
        %mul3A_282 = arith.muli %add3A_280, %mul3A_281 : i32
        %dma_start3A_283 = tpu.memref_slice %arg5[%mul3A_282] : memref<25600xi32, #tpu.memory_space<vmem>> -> memref<200xi32, #tpu.memory_space<vmem>>
        %dma_start3A_284 = arith.constant 0 : i32
        %dma_start3A_285 = arith.constant 0 : i32
        %dma_start3A_286 = tpu.memref_slice %arg2[%dma_start3A_284, %dma_start3A_285] : memref<1000000x64xf32, #tpu.memory_space<hbm>> -> memref<1000000x64xf32, #tpu.memory_space<hbm>>
        tpu.enqueue_indirect_dma source(%dma_start3A_286 : memref<1000000x64xf32, #tpu.memory_space<hbm>>) target(%arg12 : memref<200x64xf32, #tpu.memory_space<vmem>>) offsets(%dma_start3A_283 : memref<200xi32, #tpu.memory_space<vmem>>) semaphore(%arg20 : memref<!tpu.dma_semaphore, #tpu.memory_space<semaphore_mem>>)
      } else {
      }
      %mul3A_134 = arith.constant 8 : i32
      %mul3A_135 = arith.muli %scan3A_50, %mul3A_134 : i32
      %add3A_136 = arith.constant 3 : i32
      %add3A_137 = arith.addi %mul3A_135, %add3A_136 : i32
      %mul3A_138 = arith.constant 200 : i32
      %mul3A_139 = arith.muli %add3A_137, %mul3A_138 : i32
      %dma_wait3A_140 = tpu.memref_slice %arg5[%mul3A_139] : memref<25600xi32, #tpu.memory_space<vmem>> -> memref<200xi32, #tpu.memory_space<vmem>>
      %dma_wait3A_141 = arith.constant 0 : i32
      %dma_wait3A_142 = arith.constant 0 : i32
      %dma_wait3A_143 = tpu.memref_slice %arg2[%dma_wait3A_141, %dma_wait3A_142] : memref<1000000x64xf32, #tpu.memory_space<hbm>> -> memref<1000000x64xf32, #tpu.memory_space<hbm>>
      tpu.wait_indirect_dma semaphore(%arg17 : memref<!tpu.dma_semaphore, #tpu.memory_space<semaphore_mem>>) src(%dma_wait3A_143 : memref<1000000x64xf32, #tpu.memory_space<hbm>>) dst(%arg9 : memref<200x64xf32, #tpu.memory_space<vmem>>)
      %mul3A_144 = arith.constant 200 : i32
      %mul3A_145 = arith.muli %add3A_137, %mul3A_144 : i32
      %add3A_146 = arith.addi %mul3A_2, %mul3A_145 : i32
      %dma_start3A_147 = arith.constant 0 : i32
      %dma_start3A_148 = tpu.memref_slice %arg4[%add3A_146, %dma_start3A_147] : memref<819200x64xf32, #tpu.memory_space<hbm>> -> memref<200x64xf32, #tpu.memory_space<hbm>>
      %dma_start3A_149 = arith.constant 0 : i32
      %dma_start3A_150 = tpu.memref_slice %arg4[%add3A_146, %dma_start3A_149] : memref<819200x64xf32, #tpu.memory_space<hbm>> -> memref<200x64xf32, #tpu.memory_space<hbm>>
      tpu.enqueue_dma source(%arg9 : memref<200x64xf32, #tpu.memory_space<vmem>>) target(%dma_start3A_150 : memref<200x64xf32, #tpu.memory_space<hbm>>) target_semaphore(%arg25 : memref<!tpu.dma_semaphore, #tpu.memory_space<semaphore_mem>>)
      %ge3A_151 = arith.constant 4 : i32
      %ge3A_152 = arith.cmpi sge, %add3A_137, %ge3A_151 : i32
      %convert_element_type3A_153 = arith.extui %ge3A_152 : i1 to i32
      %cond3A_154 = arith.constant 0 : i32
      %cond3A_155 = arith.cmpi ne, %convert_element_type3A_153, %cond3A_154 : i32
      scf.if %cond3A_155 {
        %sub3A = arith.constant 4 : i32
        %sub3A_279 = arith.subi %add3A_137, %sub3A : i32
        %mul3A_280 = arith.constant 200 : i32
        %mul3A_281 = arith.muli %sub3A_279, %mul3A_280 : i32
        %add3A_282 = arith.addi %mul3A_2, %mul3A_281 : i32
        %dma_wait3A_283 = arith.constant 0 : i32
        %dma_wait3A_284 = tpu.memref_slice %arg4[%add3A_282, %dma_wait3A_283] : memref<819200x64xf32, #tpu.memory_space<hbm>> -> memref<200x64xf32, #tpu.memory_space<hbm>>
        %dma_wait3A_285 = arith.constant 0 : i32
        %dma_wait3A_286 = tpu.memref_slice %arg4[%add3A_282, %dma_wait3A_285] : memref<819200x64xf32, #tpu.memory_space<hbm>> -> memref<200x64xf32, #tpu.memory_space<hbm>>
        tpu.wait_dma2 semaphore(%arg29 : memref<!tpu.dma_semaphore, #tpu.memory_space<semaphore_mem>>) src(%arg13 : memref<200x64xf32, #tpu.memory_space<vmem>>) dst(%dma_wait3A_286 : memref<200x64xf32, #tpu.memory_space<hbm>>)
      } else {
      }
      %add3A_156 = arith.constant 4 : i32
      %add3A_157 = arith.addi %add3A_137, %add3A_156 : i32
      %lt3A_158 = arith.constant 128 : i32
      %lt3A_159 = arith.cmpi slt, %add3A_157, %lt3A_158 : i32
      %convert_element_type3A_160 = arith.extui %lt3A_159 : i1 to i32
      %cond3A_161 = arith.constant 0 : i32
      %cond3A_162 = arith.cmpi ne, %convert_element_type3A_160, %cond3A_161 : i32
      scf.if %cond3A_162 {
        %add3A_279 = arith.constant 4 : i32
        %add3A_280 = arith.addi %add3A_137, %add3A_279 : i32
        %mul3A_281 = arith.constant 200 : i32
        %mul3A_282 = arith.muli %add3A_280, %mul3A_281 : i32
        %dma_start3A_283 = tpu.memref_slice %arg5[%mul3A_282] : memref<25600xi32, #tpu.memory_space<vmem>> -> memref<200xi32, #tpu.memory_space<vmem>>
        %dma_start3A_284 = arith.constant 0 : i32
        %dma_start3A_285 = arith.constant 0 : i32
        %dma_start3A_286 = tpu.memref_slice %arg2[%dma_start3A_284, %dma_start3A_285] : memref<1000000x64xf32, #tpu.memory_space<hbm>> -> memref<1000000x64xf32, #tpu.memory_space<hbm>>
        tpu.enqueue_indirect_dma source(%dma_start3A_286 : memref<1000000x64xf32, #tpu.memory_space<hbm>>) target(%arg13 : memref<200x64xf32, #tpu.memory_space<vmem>>) offsets(%dma_start3A_283 : memref<200xi32, #tpu.memory_space<vmem>>) semaphore(%arg21 : memref<!tpu.dma_semaphore, #tpu.memory_space<semaphore_mem>>)
      } else {
      }
      %mul3A_163 = arith.constant 8 : i32
      %mul3A_164 = arith.muli %scan3A_50, %mul3A_163 : i32
      %add3A_165 = arith.constant 4 : i32
      %add3A_166 = arith.addi %mul3A_164, %add3A_165 : i32
      %mul3A_167 = arith.constant 200 : i32
      %mul3A_168 = arith.muli %add3A_166, %mul3A_167 : i32
      %dma_wait3A_169 = tpu.memref_slice %arg5[%mul3A_168] : memref<25600xi32, #tpu.memory_space<vmem>> -> memref<200xi32, #tpu.memory_space<vmem>>
      %dma_wait3A_170 = arith.constant 0 : i32
      %dma_wait3A_171 = arith.constant 0 : i32
      %dma_wait3A_172 = tpu.memref_slice %arg2[%dma_wait3A_170, %dma_wait3A_171] : memref<1000000x64xf32, #tpu.memory_space<hbm>> -> memref<1000000x64xf32, #tpu.memory_space<hbm>>
      tpu.wait_indirect_dma semaphore(%arg18 : memref<!tpu.dma_semaphore, #tpu.memory_space<semaphore_mem>>) src(%dma_wait3A_172 : memref<1000000x64xf32, #tpu.memory_space<hbm>>) dst(%arg10 : memref<200x64xf32, #tpu.memory_space<vmem>>)
      %mul3A_173 = arith.constant 200 : i32
      %mul3A_174 = arith.muli %add3A_166, %mul3A_173 : i32
      %add3A_175 = arith.addi %mul3A_2, %mul3A_174 : i32
      %dma_start3A_176 = arith.constant 0 : i32
      %dma_start3A_177 = tpu.memref_slice %arg4[%add3A_175, %dma_start3A_176] : memref<819200x64xf32, #tpu.memory_space<hbm>> -> memref<200x64xf32, #tpu.memory_space<hbm>>
      %dma_start3A_178 = arith.constant 0 : i32
      %dma_start3A_179 = tpu.memref_slice %arg4[%add3A_175, %dma_start3A_178] : memref<819200x64xf32, #tpu.memory_space<hbm>> -> memref<200x64xf32, #tpu.memory_space<hbm>>
      tpu.enqueue_dma source(%arg10 : memref<200x64xf32, #tpu.memory_space<vmem>>) target(%dma_start3A_179 : memref<200x64xf32, #tpu.memory_space<hbm>>) target_semaphore(%arg26 : memref<!tpu.dma_semaphore, #tpu.memory_space<semaphore_mem>>)
      %ge3A_180 = arith.constant 4 : i32
      %ge3A_181 = arith.cmpi sge, %add3A_166, %ge3A_180 : i32
      %convert_element_type3A_182 = arith.extui %ge3A_181 : i1 to i32
      %cond3A_183 = arith.constant 0 : i32
      %cond3A_184 = arith.cmpi ne, %convert_element_type3A_182, %cond3A_183 : i32
      scf.if %cond3A_184 {
        %sub3A = arith.constant 4 : i32
        %sub3A_279 = arith.subi %add3A_166, %sub3A : i32
        %mul3A_280 = arith.constant 200 : i32
        %mul3A_281 = arith.muli %sub3A_279, %mul3A_280 : i32
        %add3A_282 = arith.addi %mul3A_2, %mul3A_281 : i32
        %dma_wait3A_283 = arith.constant 0 : i32
        %dma_wait3A_284 = tpu.memref_slice %arg4[%add3A_282, %dma_wait3A_283] : memref<819200x64xf32, #tpu.memory_space<hbm>> -> memref<200x64xf32, #tpu.memory_space<hbm>>
        %dma_wait3A_285 = arith.constant 0 : i32
        %dma_wait3A_286 = tpu.memref_slice %arg4[%add3A_282, %dma_wait3A_285] : memref<819200x64xf32, #tpu.memory_space<hbm>> -> memref<200x64xf32, #tpu.memory_space<hbm>>
        tpu.wait_dma2 semaphore(%arg22 : memref<!tpu.dma_semaphore, #tpu.memory_space<semaphore_mem>>) src(%arg6 : memref<200x64xf32, #tpu.memory_space<vmem>>) dst(%dma_wait3A_286 : memref<200x64xf32, #tpu.memory_space<hbm>>)
      } else {
      }
      %add3A_185 = arith.constant 4 : i32
      %add3A_186 = arith.addi %add3A_166, %add3A_185 : i32
      %lt3A_187 = arith.constant 128 : i32
      %lt3A_188 = arith.cmpi slt, %add3A_186, %lt3A_187 : i32
      %convert_element_type3A_189 = arith.extui %lt3A_188 : i1 to i32
      %cond3A_190 = arith.constant 0 : i32
      %cond3A_191 = arith.cmpi ne, %convert_element_type3A_189, %cond3A_190 : i32
      scf.if %cond3A_191 {
        %add3A_279 = arith.constant 4 : i32
        %add3A_280 = arith.addi %add3A_166, %add3A_279 : i32
        %mul3A_281 = arith.constant 200 : i32
        %mul3A_282 = arith.muli %add3A_280, %mul3A_281 : i32
        %dma_start3A_283 = tpu.memref_slice %arg5[%mul3A_282] : memref<25600xi32, #tpu.memory_space<vmem>> -> memref<200xi32, #tpu.memory_space<vmem>>
        %dma_start3A_284 = arith.constant 0 : i32
        %dma_start3A_285 = arith.constant 0 : i32
        %dma_start3A_286 = tpu.memref_slice %arg2[%dma_start3A_284, %dma_start3A_285] : memref<1000000x64xf32, #tpu.memory_space<hbm>> -> memref<1000000x64xf32, #tpu.memory_space<hbm>>
        tpu.enqueue_indirect_dma source(%dma_start3A_286 : memref<1000000x64xf32, #tpu.memory_space<hbm>>) target(%arg6 : memref<200x64xf32, #tpu.memory_space<vmem>>) offsets(%dma_start3A_283 : memref<200xi32, #tpu.memory_space<vmem>>) semaphore(%arg14 : memref<!tpu.dma_semaphore, #tpu.memory_space<semaphore_mem>>)
      } else {
      }
      %mul3A_192 = arith.constant 8 : i32
      %mul3A_193 = arith.muli %scan3A_50, %mul3A_192 : i32
      %add3A_194 = arith.constant 5 : i32
      %add3A_195 = arith.addi %mul3A_193, %add3A_194 : i32
      %mul3A_196 = arith.constant 200 : i32
      %mul3A_197 = arith.muli %add3A_195, %mul3A_196 : i32
      %dma_wait3A_198 = tpu.memref_slice %arg5[%mul3A_197] : memref<25600xi32, #tpu.memory_space<vmem>> -> memref<200xi32, #tpu.memory_space<vmem>>
      %dma_wait3A_199 = arith.constant 0 : i32
      %dma_wait3A_200 = arith.constant 0 : i32
      %dma_wait3A_201 = tpu.memref_slice %arg2[%dma_wait3A_199, %dma_wait3A_200] : memref<1000000x64xf32, #tpu.memory_space<hbm>> -> memref<1000000x64xf32, #tpu.memory_space<hbm>>
      tpu.wait_indirect_dma semaphore(%arg19 : memref<!tpu.dma_semaphore, #tpu.memory_space<semaphore_mem>>) src(%dma_wait3A_201 : memref<1000000x64xf32, #tpu.memory_space<hbm>>) dst(%arg11 : memref<200x64xf32, #tpu.memory_space<vmem>>)
      %mul3A_202 = arith.constant 200 : i32
      %mul3A_203 = arith.muli %add3A_195, %mul3A_202 : i32
      %add3A_204 = arith.addi %mul3A_2, %mul3A_203 : i32
      %dma_start3A_205 = arith.constant 0 : i32
      %dma_start3A_206 = tpu.memref_slice %arg4[%add3A_204, %dma_start3A_205] : memref<819200x64xf32, #tpu.memory_space<hbm>> -> memref<200x64xf32, #tpu.memory_space<hbm>>
      %dma_start3A_207 = arith.constant 0 : i32
      %dma_start3A_208 = tpu.memref_slice %arg4[%add3A_204, %dma_start3A_207] : memref<819200x64xf32, #tpu.memory_space<hbm>> -> memref<200x64xf32, #tpu.memory_space<hbm>>
      tpu.enqueue_dma source(%arg11 : memref<200x64xf32, #tpu.memory_space<vmem>>) target(%dma_start3A_208 : memref<200x64xf32, #tpu.memory_space<hbm>>) target_semaphore(%arg27 : memref<!tpu.dma_semaphore, #tpu.memory_space<semaphore_mem>>)
      %ge3A_209 = arith.constant 4 : i32
      %ge3A_210 = arith.cmpi sge, %add3A_195, %ge3A_209 : i32
      %convert_element_type3A_211 = arith.extui %ge3A_210 : i1 to i32
      %cond3A_212 = arith.constant 0 : i32
      %cond3A_213 = arith.cmpi ne, %convert_element_type3A_211, %cond3A_212 : i32
      scf.if %cond3A_213 {
        %sub3A = arith.constant 4 : i32
        %sub3A_279 = arith.subi %add3A_195, %sub3A : i32
        %mul3A_280 = arith.constant 200 : i32
        %mul3A_281 = arith.muli %sub3A_279, %mul3A_280 : i32
        %add3A_282 = arith.addi %mul3A_2, %mul3A_281 : i32
        %dma_wait3A_283 = arith.constant 0 : i32
        %dma_wait3A_284 = tpu.memref_slice %arg4[%add3A_282, %dma_wait3A_283] : memref<819200x64xf32, #tpu.memory_space<hbm>> -> memref<200x64xf32, #tpu.memory_space<hbm>>
        %dma_wait3A_285 = arith.constant 0 : i32
        %dma_wait3A_286 = tpu.memref_slice %arg4[%add3A_282, %dma_wait3A_285] : memref<819200x64xf32, #tpu.memory_space<hbm>> -> memref<200x64xf32, #tpu.memory_space<hbm>>
        tpu.wait_dma2 semaphore(%arg23 : memref<!tpu.dma_semaphore, #tpu.memory_space<semaphore_mem>>) src(%arg7 : memref<200x64xf32, #tpu.memory_space<vmem>>) dst(%dma_wait3A_286 : memref<200x64xf32, #tpu.memory_space<hbm>>)
      } else {
      }
      %add3A_214 = arith.constant 4 : i32
      %add3A_215 = arith.addi %add3A_195, %add3A_214 : i32
      %lt3A_216 = arith.constant 128 : i32
      %lt3A_217 = arith.cmpi slt, %add3A_215, %lt3A_216 : i32
      %convert_element_type3A_218 = arith.extui %lt3A_217 : i1 to i32
      %cond3A_219 = arith.constant 0 : i32
      %cond3A_220 = arith.cmpi ne, %convert_element_type3A_218, %cond3A_219 : i32
      scf.if %cond3A_220 {
        %add3A_279 = arith.constant 4 : i32
        %add3A_280 = arith.addi %add3A_195, %add3A_279 : i32
        %mul3A_281 = arith.constant 200 : i32
        %mul3A_282 = arith.muli %add3A_280, %mul3A_281 : i32
        %dma_start3A_283 = tpu.memref_slice %arg5[%mul3A_282] : memref<25600xi32, #tpu.memory_space<vmem>> -> memref<200xi32, #tpu.memory_space<vmem>>
        %dma_start3A_284 = arith.constant 0 : i32
        %dma_start3A_285 = arith.constant 0 : i32
        %dma_start3A_286 = tpu.memref_slice %arg2[%dma_start3A_284, %dma_start3A_285] : memref<1000000x64xf32, #tpu.memory_space<hbm>> -> memref<1000000x64xf32, #tpu.memory_space<hbm>>
        tpu.enqueue_indirect_dma source(%dma_start3A_286 : memref<1000000x64xf32, #tpu.memory_space<hbm>>) target(%arg7 : memref<200x64xf32, #tpu.memory_space<vmem>>) offsets(%dma_start3A_283 : memref<200xi32, #tpu.memory_space<vmem>>) semaphore(%arg15 : memref<!tpu.dma_semaphore, #tpu.memory_space<semaphore_mem>>)
      } else {
      }
      %mul3A_221 = arith.constant 8 : i32
      %mul3A_222 = arith.muli %scan3A_50, %mul3A_221 : i32
      %add3A_223 = arith.constant 6 : i32
      %add3A_224 = arith.addi %mul3A_222, %add3A_223 : i32
      %mul3A_225 = arith.constant 200 : i32
      %mul3A_226 = arith.muli %add3A_224, %mul3A_225 : i32
      %dma_wait3A_227 = tpu.memref_slice %arg5[%mul3A_226] : memref<25600xi32, #tpu.memory_space<vmem>> -> memref<200xi32, #tpu.memory_space<vmem>>
      %dma_wait3A_228 = arith.constant 0 : i32
      %dma_wait3A_229 = arith.constant 0 : i32
      %dma_wait3A_230 = tpu.memref_slice %arg2[%dma_wait3A_228, %dma_wait3A_229] : memref<1000000x64xf32, #tpu.memory_space<hbm>> -> memref<1000000x64xf32, #tpu.memory_space<hbm>>
      tpu.wait_indirect_dma semaphore(%arg20 : memref<!tpu.dma_semaphore, #tpu.memory_space<semaphore_mem>>) src(%dma_wait3A_230 : memref<1000000x64xf32, #tpu.memory_space<hbm>>) dst(%arg12 : memref<200x64xf32, #tpu.memory_space<vmem>>)
      %mul3A_231 = arith.constant 200 : i32
      %mul3A_232 = arith.muli %add3A_224, %mul3A_231 : i32
      %add3A_233 = arith.addi %mul3A_2, %mul3A_232 : i32
      %dma_start3A_234 = arith.constant 0 : i32
      %dma_start3A_235 = tpu.memref_slice %arg4[%add3A_233, %dma_start3A_234] : memref<819200x64xf32, #tpu.memory_space<hbm>> -> memref<200x64xf32, #tpu.memory_space<hbm>>
      %dma_start3A_236 = arith.constant 0 : i32
      %dma_start3A_237 = tpu.memref_slice %arg4[%add3A_233, %dma_start3A_236] : memref<819200x64xf32, #tpu.memory_space<hbm>> -> memref<200x64xf32, #tpu.memory_space<hbm>>
      tpu.enqueue_dma source(%arg12 : memref<200x64xf32, #tpu.memory_space<vmem>>) target(%dma_start3A_237 : memref<200x64xf32, #tpu.memory_space<hbm>>) target_semaphore(%arg28 : memref<!tpu.dma_semaphore, #tpu.memory_space<semaphore_mem>>)
      %ge3A_238 = arith.constant 4 : i32
      %ge3A_239 = arith.cmpi sge, %add3A_224, %ge3A_238 : i32
      %convert_element_type3A_240 = arith.extui %ge3A_239 : i1 to i32
      %cond3A_241 = arith.constant 0 : i32
      %cond3A_242 = arith.cmpi ne, %convert_element_type3A_240, %cond3A_241 : i32
      scf.if %cond3A_242 {
        %sub3A = arith.constant 4 : i32
        %sub3A_279 = arith.subi %add3A_224, %sub3A : i32
        %mul3A_280 = arith.constant 200 : i32
        %mul3A_281 = arith.muli %sub3A_279, %mul3A_280 : i32
        %add3A_282 = arith.addi %mul3A_2, %mul3A_281 : i32
        %dma_wait3A_283 = arith.constant 0 : i32
        %dma_wait3A_284 = tpu.memref_slice %arg4[%add3A_282, %dma_wait3A_283] : memref<819200x64xf32, #tpu.memory_space<hbm>> -> memref<200x64xf32, #tpu.memory_space<hbm>>
        %dma_wait3A_285 = arith.constant 0 : i32
        %dma_wait3A_286 = tpu.memref_slice %arg4[%add3A_282, %dma_wait3A_285] : memref<819200x64xf32, #tpu.memory_space<hbm>> -> memref<200x64xf32, #tpu.memory_space<hbm>>
        tpu.wait_dma2 semaphore(%arg24 : memref<!tpu.dma_semaphore, #tpu.memory_space<semaphore_mem>>) src(%arg8 : memref<200x64xf32, #tpu.memory_space<vmem>>) dst(%dma_wait3A_286 : memref<200x64xf32, #tpu.memory_space<hbm>>)
      } else {
      }
      %add3A_243 = arith.constant 4 : i32
      %add3A_244 = arith.addi %add3A_224, %add3A_243 : i32
      %lt3A_245 = arith.constant 128 : i32
      %lt3A_246 = arith.cmpi slt, %add3A_244, %lt3A_245 : i32
      %convert_element_type3A_247 = arith.extui %lt3A_246 : i1 to i32
      %cond3A_248 = arith.constant 0 : i32
      %cond3A_249 = arith.cmpi ne, %convert_element_type3A_247, %cond3A_248 : i32
      scf.if %cond3A_249 {
        %add3A_279 = arith.constant 4 : i32
        %add3A_280 = arith.addi %add3A_224, %add3A_279 : i32
        %mul3A_281 = arith.constant 200 : i32
        %mul3A_282 = arith.muli %add3A_280, %mul3A_281 : i32
        %dma_start3A_283 = tpu.memref_slice %arg5[%mul3A_282] : memref<25600xi32, #tpu.memory_space<vmem>> -> memref<200xi32, #tpu.memory_space<vmem>>
        %dma_start3A_284 = arith.constant 0 : i32
        %dma_start3A_285 = arith.constant 0 : i32
        %dma_start3A_286 = tpu.memref_slice %arg2[%dma_start3A_284, %dma_start3A_285] : memref<1000000x64xf32, #tpu.memory_space<hbm>> -> memref<1000000x64xf32, #tpu.memory_space<hbm>>
        tpu.enqueue_indirect_dma source(%dma_start3A_286 : memref<1000000x64xf32, #tpu.memory_space<hbm>>) target(%arg8 : memref<200x64xf32, #tpu.memory_space<vmem>>) offsets(%dma_start3A_283 : memref<200xi32, #tpu.memory_space<vmem>>) semaphore(%arg16 : memref<!tpu.dma_semaphore, #tpu.memory_space<semaphore_mem>>)
      } else {
      }
      %mul3A_250 = arith.constant 8 : i32
      %mul3A_251 = arith.muli %scan3A_50, %mul3A_250 : i32
      %add3A_252 = arith.constant 7 : i32
      %add3A_253 = arith.addi %mul3A_251, %add3A_252 : i32
      %mul3A_254 = arith.constant 200 : i32
      %mul3A_255 = arith.muli %add3A_253, %mul3A_254 : i32
      %dma_wait3A_256 = tpu.memref_slice %arg5[%mul3A_255] : memref<25600xi32, #tpu.memory_space<vmem>> -> memref<200xi32, #tpu.memory_space<vmem>>
      %dma_wait3A_257 = arith.constant 0 : i32
      %dma_wait3A_258 = arith.constant 0 : i32
      %dma_wait3A_259 = tpu.memref_slice %arg2[%dma_wait3A_257, %dma_wait3A_258] : memref<1000000x64xf32, #tpu.memory_space<hbm>> -> memref<1000000x64xf32, #tpu.memory_space<hbm>>
      tpu.wait_indirect_dma semaphore(%arg21 : memref<!tpu.dma_semaphore, #tpu.memory_space<semaphore_mem>>) src(%dma_wait3A_259 : memref<1000000x64xf32, #tpu.memory_space<hbm>>) dst(%arg13 : memref<200x64xf32, #tpu.memory_space<vmem>>)
      %mul3A_260 = arith.constant 200 : i32
      %mul3A_261 = arith.muli %add3A_253, %mul3A_260 : i32
      %add3A_262 = arith.addi %mul3A_2, %mul3A_261 : i32
      %dma_start3A_263 = arith.constant 0 : i32
      %dma_start3A_264 = tpu.memref_slice %arg4[%add3A_262, %dma_start3A_263] : memref<819200x64xf32, #tpu.memory_space<hbm>> -> memref<200x64xf32, #tpu.memory_space<hbm>>
      %dma_start3A_265 = arith.constant 0 : i32
      %dma_start3A_266 = tpu.memref_slice %arg4[%add3A_262, %dma_start3A_265] : memref<819200x64xf32, #tpu.memory_space<hbm>> -> memref<200x64xf32, #tpu.memory_space<hbm>>
      tpu.enqueue_dma source(%arg13 : memref<200x64xf32, #tpu.memory_space<vmem>>) target(%dma_start3A_266 : memref<200x64xf32, #tpu.memory_space<hbm>>) target_semaphore(%arg29 : memref<!tpu.dma_semaphore, #tpu.memory_space<semaphore_mem>>)
      %ge3A_267 = arith.constant 4 : i32
      %ge3A_268 = arith.cmpi sge, %add3A_253, %ge3A_267 : i32
      %convert_element_type3A_269 = arith.extui %ge3A_268 : i1 to i32
      %cond3A_270 = arith.constant 0 : i32
      %cond3A_271 = arith.cmpi ne, %convert_element_type3A_269, %cond3A_270 : i32
      scf.if %cond3A_271 {
        %sub3A = arith.constant 4 : i32
        %sub3A_279 = arith.subi %add3A_253, %sub3A : i32
        %mul3A_280 = arith.constant 200 : i32
        %mul3A_281 = arith.muli %sub3A_279, %mul3A_280 : i32
        %add3A_282 = arith.addi %mul3A_2, %mul3A_281 : i32
        %dma_wait3A_283 = arith.constant 0 : i32
        %dma_wait3A_284 = tpu.memref_slice %arg4[%add3A_282, %dma_wait3A_283] : memref<819200x64xf32, #tpu.memory_space<hbm>> -> memref<200x64xf32, #tpu.memory_space<hbm>>
        %dma_wait3A_285 = arith.constant 0 : i32
        %dma_wait3A_286 = tpu.memref_slice %arg4[%add3A_282, %dma_wait3A_285] : memref<819200x64xf32, #tpu.memory_space<hbm>> -> memref<200x64xf32, #tpu.memory_space<hbm>>
        tpu.wait_dma2 semaphore(%arg25 : memref<!tpu.dma_semaphore, #tpu.memory_space<semaphore_mem>>) src(%arg9 : memref<200x64xf32, #tpu.memory_space<vmem>>) dst(%dma_wait3A_286 : memref<200x64xf32, #tpu.memory_space<hbm>>)
      } else {
      }
      %add3A_272 = arith.constant 4 : i32
      %add3A_273 = arith.addi %add3A_253, %add3A_272 : i32
      %lt3A_274 = arith.constant 128 : i32
      %lt3A_275 = arith.cmpi slt, %add3A_273, %lt3A_274 : i32
      %convert_element_type3A_276 = arith.extui %lt3A_275 : i1 to i32
      %cond3A_277 = arith.constant 0 : i32
      %cond3A_278 = arith.cmpi ne, %convert_element_type3A_276, %cond3A_277 : i32
      scf.if %cond3A_278 {
        %add3A_279 = arith.constant 4 : i32
        %add3A_280 = arith.addi %add3A_253, %add3A_279 : i32
        %mul3A_281 = arith.constant 200 : i32
        %mul3A_282 = arith.muli %add3A_280, %mul3A_281 : i32
        %dma_start3A_283 = tpu.memref_slice %arg5[%mul3A_282] : memref<25600xi32, #tpu.memory_space<vmem>> -> memref<200xi32, #tpu.memory_space<vmem>>
        %dma_start3A_284 = arith.constant 0 : i32
        %dma_start3A_285 = arith.constant 0 : i32
        %dma_start3A_286 = tpu.memref_slice %arg2[%dma_start3A_284, %dma_start3A_285] : memref<1000000x64xf32, #tpu.memory_space<hbm>> -> memref<1000000x64xf32, #tpu.memory_space<hbm>>
        tpu.enqueue_indirect_dma source(%dma_start3A_286 : memref<1000000x64xf32, #tpu.memory_space<hbm>>) target(%arg9 : memref<200x64xf32, #tpu.memory_space<vmem>>) offsets(%dma_start3A_283 : memref<200xi32, #tpu.memory_space<vmem>>) semaphore(%arg17 : memref<!tpu.dma_semaphore, #tpu.memory_space<semaphore_mem>>)
      } else {
      }
    }
    %scan3A_26 = arith.constant 16 : i32
    %add3A_27 = arith.constant 24800 : i32
    %add3A_28 = arith.addi %mul3A_2, %add3A_27 : i32
    %dma_wait3A = arith.constant 0 : i32
    %dma_wait3A_29 = tpu.memref_slice %arg4[%add3A_28, %dma_wait3A] : memref<819200x64xf32, #tpu.memory_space<hbm>> -> memref<200x64xf32, #tpu.memory_space<hbm>>
    %dma_wait3A_30 = arith.constant 0 : i32
    %dma_wait3A_31 = tpu.memref_slice %arg4[%add3A_28, %dma_wait3A_30] : memref<819200x64xf32, #tpu.memory_space<hbm>> -> memref<200x64xf32, #tpu.memory_space<hbm>>
    tpu.wait_dma2 semaphore(%arg26 : memref<!tpu.dma_semaphore, #tpu.memory_space<semaphore_mem>>) src(%arg10 : memref<200x64xf32, #tpu.memory_space<vmem>>) dst(%dma_wait3A_31 : memref<200x64xf32, #tpu.memory_space<hbm>>)
    %add3A_32 = arith.constant 25000 : i32
    %add3A_33 = arith.addi %mul3A_2, %add3A_32 : i32
    %dma_wait3A_34 = arith.constant 0 : i32
    %dma_wait3A_35 = tpu.memref_slice %arg4[%add3A_33, %dma_wait3A_34] : memref<819200x64xf32, #tpu.memory_space<hbm>> -> memref<200x64xf32, #tpu.memory_space<hbm>>
    %dma_wait3A_36 = arith.constant 0 : i32
    %dma_wait3A_37 = tpu.memref_slice %arg4[%add3A_33, %dma_wait3A_36] : memref<819200x64xf32, #tpu.memory_space<hbm>> -> memref<200x64xf32, #tpu.memory_space<hbm>>
    tpu.wait_dma2 semaphore(%arg27 : memref<!tpu.dma_semaphore, #tpu.memory_space<semaphore_mem>>) src(%arg11 : memref<200x64xf32, #tpu.memory_space<vmem>>) dst(%dma_wait3A_37 : memref<200x64xf32, #tpu.memory_space<hbm>>)
    %add3A_38 = arith.constant 25200 : i32
    %add3A_39 = arith.addi %mul3A_2, %add3A_38 : i32
    %dma_wait3A_40 = arith.constant 0 : i32
    %dma_wait3A_41 = tpu.memref_slice %arg4[%add3A_39, %dma_wait3A_40] : memref<819200x64xf32, #tpu.memory_space<hbm>> -> memref<200x64xf32, #tpu.memory_space<hbm>>
    %dma_wait3A_42 = arith.constant 0 : i32
    %dma_wait3A_43 = tpu.memref_slice %arg4[%add3A_39, %dma_wait3A_42] : memref<819200x64xf32, #tpu.memory_space<hbm>> -> memref<200x64xf32, #tpu.memory_space<hbm>>
    tpu.wait_dma2 semaphore(%arg28 : memref<!tpu.dma_semaphore, #tpu.memory_space<semaphore_mem>>) src(%arg12 : memref<200x64xf32, #tpu.memory_space<vmem>>) dst(%dma_wait3A_43 : memref<200x64xf32, #tpu.memory_space<hbm>>)
    %add3A_44 = arith.constant 25400 : i32
    %add3A_45 = arith.addi %mul3A_2, %add3A_44 : i32
    %dma_wait3A_46 = arith.constant 0 : i32
    %dma_wait3A_47 = tpu.memref_slice %arg4[%add3A_45, %dma_wait3A_46] : memref<819200x64xf32, #tpu.memory_space<hbm>> -> memref<200x64xf32, #tpu.memory_space<hbm>>
    %dma_wait3A_48 = arith.constant 0 : i32
    %dma_wait3A_49 = tpu.memref_slice %arg4[%add3A_45, %dma_wait3A_48] : memref<819200x64xf32, #tpu.memory_space<hbm>> -> memref<200x64xf32, #tpu.memory_space<hbm>>
    tpu.wait_dma2 semaphore(%arg29 : memref<!tpu.dma_semaphore, #tpu.memory_space<semaphore_mem>>) src(%arg13 : memref<200x64xf32, #tpu.memory_space<vmem>>) dst(%dma_wait3A_49 : memref<200x64xf32, #tpu.memory_space<hbm>>)
    return
  }
}

</mosaic_0001>

<sc_bundles>
// kernel: kernel.3.cloned.1.call-start
scs
__scs_entry_jumppad:
0x0: {  	(pc) =	sbr.rel $0x88, $3  }
0x1: {  	(tag) =	ssettag $0x0;
	lr =	simm.s32 $0x1  }
0x2: {  	[smem:$0x3F9F] =	sst lr;
	_ =	strace $0xD0000000  }
0x3: {  	_ = 	snop  }
0x4: {  	_ = 	snop  }
0x5: {  	_ = 	snop  }
0x6: {  	_ = 	snop  }
0x7: {  	_ = 	snop  }
__scs_overlays_trampoline_lowered:
0x8: {  	[smem:$0x3FAE] =	sst s0  }
0x9: {  	[smem:$0x3FAF] =	sst s1  }
0xa: {  	[smem:$0x3FB0] =	sst s2  }
0xb: {  	[smem:$0x3FB1] =	sst s3  }
0xc: {  	[smem:$0x3FB2] =	sst s4  }
0xd: {  	[smem:$0x3FB3] =	sst s5  }
0xe: {  	[smem:$0x3FB4] =	sst s6  }
0xf: {  	[smem:$0x3FB5] =	sst s7  }
0x10: {  	[smem:$0x3FB6] =	sst s8  }
0x11: {  	[smem:$0x3FB7] =	sst s9;
	s0 =	simm.s32 @!p0 $0x0  }
0x12: {  	s1 =	sld [smem:$0x3F9D];
	s0 =	simm.s32 @p0 $0x1  }
0x13: {  	[smem:$0x3FB8] =	sst s0;
	s0 =	simm.s32 @!p1 $0x0  }
0x14: {  	s2 =	sld [smem:$0x3F9C];
	s0 =	simm.s32 @p1 $0x1  }
0x15: {  	[smem:$0x3FB9] =	sst s0;
	s0 =	simm.s32 @!p2 $0x0  }
0x16: {  	s3 =	sld [smem:$0x3FDB];
	s0 =	simm.s32 @p2 $0x1  }
0x17: {  	s4 =	simm.s32 $0x1BF5;
	[smem:$0x3FBB] =	sst s0  }
0x18: {  	s0 =	sld [smem:$0x3F9E];
	_ =	swait.ge [sflag:s4], $0x0  }
0x19: {  	s7 =	sld [smem:$0x3F9F]  }
0x1a: {  	s8 =	sadd.s32 $0xFFFFE003, lr  }
0x1b: {  	s9 =	sadd.s32 $0xFFFFFEF7, lr;
	s5 =	simm.s32 $0xFFFFFFFF;
	p2 =	slt.u32 s8, $0xFFFFF086  }
0x1c: {  	p1 =	slt.u32 s9, $0xF7A;
	s5 =	simm.s32 @!p2 $0x0  }
0x1d: {  	s5 =	simm.s32 @p1 $0x1;
	p0 =	seq.s32 s7, s2  }
0x1e: {  	s7 =	smul.u32 @!p0 $0xF7A, s2;
	p2 =	seq.s32 @!p0 s5, $0x0  }
0x1f: {  	s9 =	smul.u32 $0xF7A, s1;
	s8 =	simm.s32 @!p0 $0x1BF5;
	p2 =	por !p2, p0  }
0x20: {  	[sflag:s8] =	ssyncset.s32 @!p0 $0xFFFFF086;
	s6 =	sadd.s32 @!p0 s3, s7;
	s7 =	simm.s32 @!p0 $0x108  }
0x21: {  	s3 =	sadd.s32 s3, s9;
	s6 =	sadd.s32 @!p0 $0x88, s6;
	s7 =	simm.s32 @p2 $0x1082  }
0x22: {  	[simem:s7], [sflag:s8] =	dma.local @!p0 [hbm:s6], $0xF7A  }
0x23: {  	s9 =	sor.u32 $0xD0000000, s2;
	s6 =	simm.s32 $0x108;
	_ =	swait.ge @!p0 [sflag:s8], $0x0  }
0x24: {  	s3 =	sadd.s32 $0x88, s3;
	s6 =	simm.s32 @!p1 $0x1082;
	[sflag:s4] =	ssyncset.s32 $0xFFFFF086  }
0x25: {  	[simem:s6], [sflag:s4] =	dma.local [hbm:s3], $0xF7A  }
0x26: {  	[smem:$0x3F9F] =	sst s1;
	(tag) =	ssettag s2;
	_ =	strace s9  }
0x27: {  	s1 =	sld [smem:$0x3FAF]  }
0x28: {  	s2 =	sld [smem:$0x3FB0]  }
0x29: {  	s4 =	sld [smem:$0x3FB2]  }
0x2a: {  	p0 =	seq.s32 s5, $0x0;
	s5 =	sld [smem:$0x3FB3]  }
0x2b: {  	s6 =	sld [smem:$0x3FB4]  }
0x2c: {  	s7 =	sld [smem:$0x3FB5]  }
0x2d: {  	s3 =	simm.s32 $0x108;
	s8 =	sld [smem:$0x3FB6]  }
0x2e: {  	s3 =	simm.s32 @!p0 $0x1082;
	s9 =	sld [smem:$0x3FB7]  }
0x2f: {  	lr =	sadd.s32 s0, s3;
	s0 =	sld [smem:$0x3FAE]  }
0x30: {  	s3 =	sld [smem:$0x3FB1]  }
0x31: {  	[smem:$0x3FBA] =	sst s10  }
0x32: {  	s10 =	sld [smem:$0x3FB8];
	_ =	sdelay $0x3  }
0x33: {  	p0 =	seq.s32 s10, $0x1;
	s10 =	sld [smem:$0x3FBA];
	_ =	sdelay $0x3  }
0x34: {  	[smem:$0x3FBA] =	sst s10  }
0x35: {  	s10 =	sld [smem:$0x3FB9];
	_ =	sdelay $0x3  }
0x36: {  	p1 =	seq.s32 s10, $0x1;
	s10 =	sld [smem:$0x3FBA];
	_ =	sdelay $0x3  }
0x37: {  	[smem:$0x3FBA] =	sst s10  }
0x38: {  	s10 =	sld [smem:$0x3FBB]  }
0x39: {  	_ = 	snop;
	(pc) =	sbr.ind lr, $3  }
0x3a: {  	_ = 	snop  }
0x3b: {  	_ = 	snop  }
0x3c: {  	p2 =	seq.s32 s10, $0x1;
	s10 =	sld [smem:$0x3FBA]  }
0x3d: {  	_ =	shalt  }
0x3e: {  	_ =	shalt  }
0x3f: {  	_ =	shalt  }
0x40: {  	_ =	shalt  }
0x41: {  	_ =	shalt  }
0x42: {  	_ =	shalt  }
0x43: {  	_ =	shalt  }
0x44: {  	_ =	shalt  }
0x45: {  	_ =	shalt  }
0x46: {  	_ =	shalt  }
0x47: {  	_ =	shalt  }
0x48: {  	_ =	shalt  }
0x49: {  	_ =	shalt  }
0x4a: {  	_ =	shalt  }
0x4b: {  	_ =	shalt  }
0x4c: {  	_ =	shalt  }
0x4d: {  	_ =	shalt  }
0x4e: {  	_ =	shalt  }
0x4f: {  	_ =	shalt  }
0x50: {  	_ =	shalt  }
0x51: {  	_ =	shalt  }
0x52: {  	_ =	shalt  }
0x53: {  	_ =	shalt  }
0x54: {  	_ =	shalt  }
0x55: {  	_ =	shalt  }
0x56: {  	_ =	shalt  }
0x57: {  	_ =	shalt  }
0x58: {  	_ =	shalt  }
0x59: {  	_ =	shalt  }
0x5a: {  	_ =	shalt  }
0x5b: {  	_ =	shalt  }
0x5c: {  	_ =	shalt  }
0x5d: {  	_ =	shalt  }
0x5e: {  	_ =	shalt  }
0x5f: {  	_ =	shalt  }
0x60: {  	_ =	shalt  }
0x61: {  	_ =	shalt  }
0x62: {  	_ =	shalt  }
0x63: {  	_ =	shalt  }
0x64: {  	_ =	shalt  }
0x65: {  	_ =	shalt  }
0x66: {  	_ =	shalt  }
0x67: {  	_ =	shalt  }
0x68: {  	_ =	shalt  }
0x69: {  	_ =	shalt  }
0x6a: {  	_ =	shalt  }
0x6b: {  	_ =	shalt  }
0x6c: {  	_ =	shalt  }
0x6d: {  	_ =	shalt  }
0x6e: {  	_ =	shalt  }
0x6f: {  	_ =	shalt  }
0x70: {  	_ =	shalt  }
0x71: {  	_ =	shalt  }
0x72: {  	_ =	shalt  }
0x73: {  	_ =	shalt  }
0x74: {  	_ =	shalt  }
0x75: {  	_ =	shalt  }
0x76: {  	_ =	shalt  }
0x77: {  	_ =	shalt  }
0x78: {  	_ =	shalt  }
0x79: {  	_ =	shalt  }
0x7a: {  	_ =	shalt  }
0x7b: {  	_ =	shalt  }
0x7c: {  	_ =	shalt  }
0x7d: {  	_ =	shalt  }
0x7e: {  	_ =	shalt  }
0x7f: {  	_ =	shalt  }
0x80: {  	_ =	shalt  }
0x81: {  	_ =	shalt  }
0x82: {  	_ =	shalt  }
0x83: {  	_ =	shalt  }
0x84: {  	_ =	shalt  }
0x85: {  	_ =	shalt  }
0x86: {  	_ =	shalt  }
0x87: {  	_ =	shalt  }
.Lfunc_end0:
.L_simem_size_0:
called_computation.1_lowered:
.L_overlay_start_0:
0x88: {  	s2 =	sld [smem:$0x3FD9]  }
0x89: {  	s3 =	sld [smem:$0x3FFE];
	_ =	sdelay $0x1  }
0x8a: {  	s1 =	srdreg.scid  }
0x8b: {  	s0 =	sand.u32 $0x1, s1  }
0x8c: {  	s17 =	sshll.u32 s0, $0xA;
	s2 =	sadd.s32 s3, s2  }
0x8d: {  	s2 =	sadd.s32 s2, s17  }
0x8e: {  	[smem:$0x3FC6] =	sst s2  }
0x8f: {  	_ = 	snop  }
0x90: {  	s2 =	sld [smem:$0x3FD0];
	(tm) =	ssettm $0x1  }
0x91: {  	s18 =	sld [smem:$0x3FFB];
	_ =	sdelay $0x3  }
0x92: {  	_ =	strace s18  }
0x93: {  	s3 =	sld [smem:$0x3FFC];
	_ =	sdelay $0x3  }
0x94: {  	_ =	strace s3  }
0x95: {  	s3 =	sld [smem:$0x3FFD];
	_ =	sdelay $0x3  }
0x96: {  	_ =	strace s3  }
0x97: {  	_ =	strace $0x8FFFFFFF  }
0x98: {  	s19 =	sld [smem:$0x3FDB];
	_ =	sdelay $0x1  }
0x99: {  	s4 =	simm.s32 $_scs_section_size  }
0x9a: {  	s5 =	simm.s32 $_size__tile_overlayer_lowered;
	s6 =	simm.s32 $_tile_overlayer_lowered  }
0x9b: {  	s22 =	simm.s32 $0x1BFF;
	s21 =	sshll.u32 s6, $0x1;
	s3 =	sadd.s32 s4, s19  }
0x9c: {  	s7 =	simm.s32 $0x0;
	s20 =	sshll.u32 s5, $0x1;
	s5 =	sadd.s32 s21, s3  }
0x9d: {  	[timem:s7], [sflag:s22] =	dma.local [hbm:s5], s20  }
0x9e: {  	_ =	swait.ge [sflag:s22], s20  }
0x9f: {  	s4 =	ssub.s32 $0x0, s20;
	[sflag:s22] =	ssyncset.done $0x0  }
0xa0: {  	[sflag:s22] =	ssyncadd.s32 s4;
	_ =	sdelay $0x1  }
0xa1: {  	s23 =	simm.s32 $0x1B8B  }
0xa2: {  	_ =	swait.ge [sflag:s23], $0x1  }
0xa3: {  	[sflag:s23] =	ssyncset.done $0x0  }
0xa4: {  	s25 =	simm.s32 $0x1B8E;
	s24 =	sld [smem:$0x3FFE];
	[sflag:s23] =	ssyncadd.s32 $0xFFFFFFFF  }
0xa5: {  	s26 =	simm.s32 $execute0_lowered;
	[smem:$0x3FD2] =	sst s25  }
0xa6: {  	s5 =	sshll.u32 s26, $0x1;
	_ =	strace $0x80000046;
	[dreg:$0x1] =	wrdreg $0xFFFFFFFF  }
0xa7: {  	s28 =	simm.s32 $_size_execute0_lowered;
	s3 =	sadd.s32 s3, s5;
	[dreg:$0x0] =	wrdreg $0x0  }
0xa8: {  	s5 =	sshll.u32 s28, $0x1;
	[dreg:$0x2] =	wrdreg s3  }
0xa9: {  	[dreg:$0x3] =	wrdreg s5  }
0xaa: {  	[dreg:$0x4] =	wrdreg $0xC0  }
0xab: {  	_ =	task [dreg:s7], $0x5FFFF  }
0xac: {  	[dreg:$0x1] =	wrdreg $0xFFFFFFFF  }
0xad: {  	[dreg:$0x0] =	wrdreg $0x60  }
0xae: {  	[dreg:$0x2] =	wrdreg s24  }
0xaf: {  	[dreg:$0x3] =	wrdreg s2  }
0xb0: {  	[dreg:$0x4] =	wrdreg $0x9  }
0xb1: {  	_ =	task.clear_ibuf [dreg:s7], $0x5FFFF;
	_ =	strace $0x90000046  }
0xb2: {  	s29 =	simm.s32 $0x9;
	_ =	strace $0x80000048  }
0xb3: {  	_ =	swait.ge [sflag:s29], $0x1  }
0xb4: {  	[sflag:s29] =	ssyncadd.s32 $0xFFFFFFFF  }
0xb5: {  	_ =	strace $0x90000048  }
0xb6: {  	_ =	sfence  }
0xb7: {  	s30 =	sld [smem:$0x0];
	_ =	sdelay $0x2  }
0xb8: {  	s31 =	sshll.u32 s1, $0xD;
	s1 =	sshrl.u32 s1, $0x2  }
0xb9: {  	s3 =	sand.u32 $0x4000, s31;
	s1 =	sadd.s32 s1, s30  }
0xba: {  	s0 =	sor.u32 s3, s0;
	s1 =	sshll.u32 s1, $0x11  }
0xbb: {  	s0 =	sor.u32 s1, s0  }
0xbc: {  	s0 =	sadd.s32 $0x8F2B, s0  }
0xbd: {  	[sflag:s0] =	ssyncadd.remote.s32 $0x1  }
0xbe: {  	_ =	sfence.sel $0xFFFF  }
0xbf: {  	[dreg:$0x0] =	wrdreg $0xFFFFFFFF;
	(pc) =	sbr.abs _section_cstart, $3  }
0xc0: {  	[dreg:$0x1] =	wrdreg $0xFFFFFFFF  }
0xc1: {  	_ =	task.clear_ibuf [dreg:s7], $0x2FFFF;
	_ =	strace $0x9FFFFFFF  }
0xc2: {  	(tm) =	ssettm $0x7FFFFFFF  }
0xc3: {  	_ =	shalt  }
tec
execute0_lowered:
.L_overlay_start_1:
0x0: {  	(tag) =	ssettag $0x1  }
0x1: {  	s0 =	srdreg.scid  }
0x2: {  	s8 =	stileid.u32;
	s1 =	rddreg [dreg:$0x0];
	s3 =	simm.s32 $0x0  }
0x3: {  	s16 =	simm.s32 $0xC8;
	s28 =	simm.s32 $0x3;
	s29 =	simm.s32 $0x19000  }
0x4: {  	s30 =	simm.s32 $0x4;
	s31 =	simm.s32 $0x1C200;
	s19 =	simm.s32 $0xA  }
0x5: {  	s15 =	simm.s32 $0xC;
	s9 =	simm.s32 $0x0;
	s5 =	smul.u32 $0xC800, s8  }
0x6: {  	s0 =	sand.u32 $0x1, s0;
	s2 =	sshll.u32 s8, $0x1;
	s22 =	smul.u32 $0x64000, s8  }
0x7: {  	[smem:$0x7FF] =	sst s3;
	s4 =	sadd.s32 $0xF42E00, s1;
	s6 =	smul.u32 $0x6400, s0  }
0x8: {  	s2 =	sor.u32 s0, s2;
	s21 =	ssub.s32 $0x2, s0;
	s0 =	smul.u32 $0x32000, s0  }
0x9: {  	_ =	strace $0x80000047;
	s2 =	smul.u32 $0x6400, s2;
	s7 =	sshrl.u32 s21, $0x1  }
0xa: {  	s5 =	sadd.s32 s6, s5;
	s0 =	sadd.s32 s0, s22;
	s22 =	simm.s32 $0xFA00  }
0xb: {  	s6 =	simm.s32 $0x8;
	s2 =	sshrl.u32 s2, $0x3;
	s5 =	sshll.u32 s5, $0x3  }
0xc: {  	[dreg:$0x8] =	wrdreg s0;
	s0 =	simm.s32 $0x9;
	s1 =	sadd.s32 s2, s1  }
0xd: {  	s2 =	ssub.s32 s21, s7;
	s24 =	sor.u32 $0x12C0, s5;
	s25 =	sor.u32 $0xC80, s5  }
0xe: {  	s26 =	sor.u32 $0x640, s5;
	s11 =	sadd.s32 $0x2BC0, s5;
	s12 =	sadd.s32 $0x2580, s5  }
0xf: {  	s13 =	sor.u32 $0x1F40, s5;
	s14 =	sor.u32 $0x1900, s5;
	s21 =	simm.s32 $0x7  }
.Ltmp0:
0x10: {  	s5 =	simm.s32 $0xB;
	[dreg:$0x5] =	wrdreg s24;
	(pc) =	sbr.rel .LBB2_1-.Ltmp0, $4  }
0x11: {  	s1 =	sadd.s32 $0xA00, s1;
	s23 =	smax.u32 s2, $0x1;
	[dreg:$0x6] =	wrdreg s25  }
0x12: {  	[dreg:$0x7] =	wrdreg s26;
	s24 =	simm.s32 $0x12C00;
	s25 =	simm.s32 $0x2  }
0x13: {  	s26 =	simm.s32 $0x15E00;
	s2 =	simm.s32 $0x6;
	[dreg:$0x3] =	wrdreg s1  }
0x14: {  	[dreg:$0x4] =	wrdreg s23;
	s23 =	simm.s32 $0x1;
	s1 =	simm.s32 $0x5  }
.LBB2_4:
0x15: {  	s7 =	simm.s32 $0xD  }
0x16: {  	_ =	swait.ge [sflag:s7], $0x3200  }
0x17: {  	[sflag:s7] =	ssyncset.done $0x0  }
0x18: {  	s17 =	simm.s32 $0xE;
	[sflag:s7] =	ssyncadd.s32 $0xFFFFCE00  }
0x19: {  	_ =	swait.ge [sflag:s17], $0x3200  }
0x1a: {  	[sflag:s17] =	ssyncset.done $0x0  }
0x1b: {  	s18 =	simm.s32 $0xF;
	[sflag:s17] =	ssyncadd.s32 $0xFFFFCE00  }
0x1c: {  	_ =	swait.ge [sflag:s18], $0x3200  }
0x1d: {  	[sflag:s18] =	ssyncset.done $0x0  }
0x1e: {  	s8 =	simm.s32 $0x10;
	[sflag:s18] =	ssyncadd.s32 $0xFFFFCE00  }
0x1f: {  	_ =	swait.ge [sflag:s8], $0x3200  }
0x20: {  	s9 =	rddreg [dreg:$0x9]  }
0x21: {  	s20 =	rddreg [dreg:$0x4];
	s9 =	sadd.s32 $0x1, s9  }
0x22: {  	p0 =	sne.s32 s9, s20  }
.Ltmp1:
0x23: {  	_ = 	snop;
	(pc) =	sbr.rel @!p0 .LBB2_5-.Ltmp1, $3  }
0x24: {  	_ =	sdelay $0x1  }
0x25: {  	[sflag:s8] =	ssyncset.done $0x0  }
0x26: {  	[sflag:s8] =	ssyncadd.s32 $0xFFFFCE00  }
.LBB2_1:
0x27: {  	[dreg:$0x9] =	wrdreg s9  }
0x28: {  	s7 =	rddreg [dreg:$0x3];
	s9 =	simm.s32 $0x11  }
0x29: {  	[tilespmem:s3], [sflag:$0x11] =	stream.linear.gather [hbm4b:s7+s3], $0x6400, $0x38;
	[tilespmem:$0x1F400] =	vst v63  }
0x2a: {  	_ =	swait.ge [sflag:s9], $0x6400  }
0x2b: {  	[sflag:s9] =	ssyncset.done $0x0  }
0x2c: {  	s10 =	simm.s32 $0x6400;
	[sflag:s9] =	ssyncadd.s32 $0xFFFF9C00  }
0x2d: {  	[tilespmem:s10], [sflag:$0x1] =	stream.indirect.gather [hbm4b:s4+s16], $0x40, s3, s16, $0xb8;
	[tilespmem:$0x1F400] =	vst v63  }
0x2e: {  	s17 =	simm.s32 $0x9600  }
0x2f: {  	[tilespmem:s17], [sflag:$0x2] =	stream.indirect.gather [hbm4b:s4+s16], $0x40, s16, s16, $0xb8;
	[tilespmem:$0x1F400] =	vst v63  }
0x30: {  	s18 =	simm.s32 $0x190;
	s8 =	simm.s32 $0xC800  }
0x31: {  	[tilespmem:s8], [sflag:$0x3] =	stream.indirect.gather [hbm4b:s4+s16], $0x40, s18, s16, $0xb8;
	[tilespmem:$0x1F400] =	vst v63  }
0x32: {  	s20 =	simm.s32 $0x258;
	s17 =	rddreg [dreg:$0x1];
	s18 =	simm.s32 $0x0  }
0x33: {  	[tilespmem:s22], [sflag:$0x4] =	stream.indirect.gather [hbm4b:s4+s16], $0x40, s20, s16, $0xb8;
	[tilespmem:$0x1F400] =	vst v63  }
.LBB2_2:
0x34: {  	_ =	swait.ge [sflag:s23], $0x3200;
	s8 =	simm.s32 $0x6400  }
0x35: {  	p0 =	seq.s32 s18, $0x0;
	[sflag:s23] =	ssyncset.done $0x0;
	s7 =	rddreg [dreg:$0x8]  }
0x36: {  	[sflag:s23] =	ssyncadd.s32 $0xFFFFCE00;
	s20 =	sadd.s32 s17, s7;
	s7 =	simm.s32 @!p0 $0xD  }
0x37: {  	[hbm4b:s20+s3] =	stream.linear.scatter [tilespmem:s8], [sflag:$0x9], $0x3200, $0x38;
	[tilespmem:$0x1F400] =	vst v63  }
0x38: {  	_ =	swait.ge @!p0 [sflag:s7], $0x3200  }
0x39: {  	s20 =	sshra.s32 s18, $0x2;
	[sflag:s7] =	ssyncset.done @!p0 $0x0  }
0x3a: {  	s9 =	sadd.s32 $0x320, s20;
	[sflag:s7] =	ssyncadd.s32 @!p0 $0xFFFFCE00  }
0x3b: {  	[tilespmem:s24], [sflag:$0x5] =	stream.indirect.gather [hbm4b:s4+s16], $0x40, s9, s16, $0xb8;
	[tilespmem:$0x1F400] =	vst v63  }
0x3c: {  	_ =	swait.ge [sflag:s25], $0x3200  }
0x3d: {  	[sflag:s25] =	ssyncset.done $0x0;
	s10 =	rddreg [dreg:$0x7]  }
0x3e: {  	s8 =	simm.s32 $0x9600;
	[sflag:s25] =	ssyncadd.s32 $0xFFFFCE00;
	s7 =	sadd.s32 s17, s10  }
0x3f: {  	[hbm4b:s7+s3] =	stream.linear.scatter [tilespmem:s8], [sflag:$0xA], $0x3200, $0x38;
	[tilespmem:$0x1F400] =	vst v63  }
0x40: {  	s7 =	simm.s32 @!p0 $0xE  }
0x41: {  	_ =	swait.ge @!p0 [sflag:s7], $0x3200  }
0x42: {  	[sflag:s7] =	ssyncset.done @!p0 $0x0  }
0x43: {  	s8 =	sadd.s32 $0x3E8, s20;
	[sflag:s7] =	ssyncadd.s32 @!p0 $0xFFFFCE00  }
0x44: {  	[tilespmem:s26], [sflag:$0x6] =	stream.indirect.gather [hbm4b:s4+s16], $0x40, s8, s16, $0xb8;
	[tilespmem:$0x1F400] =	vst v63  }
0x45: {  	_ =	swait.ge [sflag:s28], $0x3200  }
0x46: {  	[sflag:s28] =	ssyncset.done $0x0;
	s9 =	rddreg [dreg:$0x6]  }
0x47: {  	s10 =	simm.s32 $0xC800;
	[sflag:s28] =	ssyncadd.s32 $0xFFFFCE00;
	s7 =	sadd.s32 s17, s9  }
0x48: {  	[hbm4b:s7+s3] =	stream.linear.scatter [tilespmem:s10], [sflag:$0xB], $0x3200, $0x38;
	[tilespmem:$0x1F400] =	vst v63  }
0x49: {  	s7 =	simm.s32 @!p0 $0xF  }
0x4a: {  	_ =	swait.ge @!p0 [sflag:s7], $0x3200  }
0x4b: {  	[sflag:s7] =	ssyncset.done @!p0 $0x0  }
0x4c: {  	s9 =	sadd.s32 $0x4B0, s20;
	[sflag:s7] =	ssyncadd.s32 @!p0 $0xFFFFCE00  }
0x4d: {  	[tilespmem:s29], [sflag:$0x7] =	stream.indirect.gather [hbm4b:s4+s16], $0x40, s9, s16, $0xb8;
	[tilespmem:$0x1F400] =	vst v63  }
0x4e: {  	_ =	swait.ge [sflag:s30], $0x3200  }
0x4f: {  	[sflag:s30] =	ssyncset.done $0x0;
	s10 =	rddreg [dreg:$0x5]  }
0x50: {  	[sflag:s30] =	ssyncadd.s32 $0xFFFFCE00;
	s7 =	sadd.s32 s17, s10  }
0x51: {  	[hbm4b:s7+s3] =	stream.linear.scatter [tilespmem:s22], [sflag:$0xC], $0x3200, $0x38;
	[tilespmem:$0x1F400] =	vst v63  }
0x52: {  	s7 =	simm.s32 @!p0 $0x10  }
0x53: {  	_ =	swait.ge @!p0 [sflag:s7], $0x3200  }
0x54: {  	[sflag:s7] =	ssyncset.done @!p0 $0x0  }
0x55: {  	s8 =	sadd.s32 $0x578, s20;
	[sflag:s7] =	ssyncadd.s32 @!p0 $0xFFFFCE00  }
0x56: {  	[tilespmem:s31], [sflag:$0x8] =	stream.indirect.gather [hbm4b:s4+s16], $0x40, s8, s16, $0xb8;
	[tilespmem:$0x1F400] =	vst v63  }
0x57: {  	_ =	swait.ge [sflag:s1], $0x3200  }
0x58: {  	[sflag:s1] =	ssyncset.done $0x0  }
0x59: {  	s9 =	sadd.s32 s17, s14;
	[sflag:s1] =	ssyncadd.s32 $0xFFFFCE00  }
0x5a: {  	[hbm4b:s9+s3] =	stream.linear.scatter [tilespmem:s24], [sflag:$0xD], $0x3200, $0x38;
	[tilespmem:$0x1F400] =	vst v63  }
0x5b: {  	p0 =	seq.s32 s18, $0x17700;
	_ =	swait.ge [sflag:s0], $0x3200  }
0x5c: {  	s7 =	sshra.s32 @!p0 s18, $0x2;
	s10 =	simm.s32 @!p0 $0x6400;
	[sflag:s0] =	ssyncset.done $0x0  }
0x5d: {  	s8 =	sadd.s32 @!p0 $0x640, s7;
	s9 =	simm.s32 @!p0 $0xC8;
	[sflag:s0] =	ssyncadd.s32 $0xFFFFCE00  }
0x5e: {  	[tilespmem:s10], [sflag:$0x1] =	stream.indirect.gather @!p0 [hbm4b:s4+s9], $0x40, s8, s9, $0xb8;
	[tilespmem:$0x1F400] =	vst v63  }
0x5f: {  	_ =	swait.ge [sflag:s2], $0x3200  }
0x60: {  	[sflag:s2] =	ssyncset.done $0x0  }
0x61: {  	s10 =	sadd.s32 s17, s13;
	[sflag:s2] =	ssyncadd.s32 $0xFFFFCE00  }
0x62: {  	[hbm4b:s10+s3] =	stream.linear.scatter [tilespmem:s26], [sflag:$0xE], $0x3200, $0x38;
	[tilespmem:$0x1F400] =	vst v63  }
0x63: {  	_ =	swait.ge [sflag:s19], $0x3200  }
0x64: {  	[sflag:s19] =	ssyncset.done $0x0  }
0x65: {  	s8 =	sadd.s32 @!p0 $0x708, s7;
	s10 =	simm.s32 @!p0 $0x9600;
	[sflag:s19] =	ssyncadd.s32 $0xFFFFCE00  }
0x66: {  	[tilespmem:s10], [sflag:$0x2] =	stream.indirect.gather @!p0 [hbm4b:s4+s9], $0x40, s8, s9, $0xb8;
	[tilespmem:$0x1F400] =	vst v63  }
0x67: {  	_ =	swait.ge [sflag:s21], $0x3200  }
0x68: {  	[sflag:s21] =	ssyncset.done $0x0  }
0x69: {  	s10 =	sadd.s32 s17, s12;
	[sflag:s21] =	ssyncadd.s32 $0xFFFFCE00  }
0x6a: {  	[hbm4b:s10+s3] =	stream.linear.scatter [tilespmem:s29], [sflag:$0xF], $0x3200, $0x38;
	[tilespmem:$0x1F400] =	vst v63  }
0x6b: {  	_ =	swait.ge [sflag:s5], $0x3200  }
0x6c: {  	[sflag:s5] =	ssyncset.done $0x0  }
0x6d: {  	s7 =	sadd.s32 @!p0 $0x7D0, s7;
	s8 =	simm.s32 @!p0 $0xC800;
	[sflag:s5] =	ssyncadd.s32 $0xFFFFCE00  }
0x6e: {  	[tilespmem:s8], [sflag:$0x3] =	stream.indirect.gather @!p0 [hbm4b:s4+s9], $0x40, s7, s9, $0xb8;
	[tilespmem:$0x1F400] =	vst v63  }
0x6f: {  	_ =	swait.ge [sflag:s6], $0x3200  }
0x70: {  	[sflag:s6] =	ssyncset.done $0x0  }
.Ltmp2:
0x71: {  	s10 =	sadd.s32 s17, s11;
	[sflag:s6] =	ssyncadd.s32 $0xFFFFCE00;
	(pc) =	sbr.rel @p0 .LBB2_4-.Ltmp2, $4  }
0x72: {  	[hbm4b:s10+s3] =	stream.linear.scatter [tilespmem:s31], [sflag:$0x10], $0x3200, $0x38;
	[tilespmem:$0x1F400] =	vst v63  }
0x73: {  	_ =	swait.ge [sflag:s15], $0x3200  }
0x74: {  	[sflag:s15] =	ssyncset.done $0x0  }
0x75: {  	[sflag:s15] =	ssyncadd.s32 $0xFFFFCE00  }
.Ltmp3:
0x76: {  	(pc) =	sbr.rel .LBB2_2-.Ltmp3, $3  }
0x77: {  	_ =	sdelay $0x1  }
0x78: {  	s7 =	sadd.s32 $0x898, s20;
	s18 =	sadd.s32 $0x1900, s18;
	s17 =	sadd.s32 $0x3200, s17  }
0x79: {  	[tilespmem:s22], [sflag:$0x4] =	stream.indirect.gather [hbm4b:s4+s16], $0x40, s7, s16, $0xb8;
	[tilespmem:$0x1F400] =	vst v63  }
.LBB2_5:
0x7a: {  	_ =	sfence.sel $0x180000  }
0x7b: {  	[bflag:$0x0] =	sbarrier.arrive $0xFFFF  }
0x7c: {  	_ =	strace $0x90000047  }
0x7d: {  	s0 =	stileid.u32;
	[bflag:$0x2] =	sbarrier.arrive $0xFFFF  }
0x7e: {  	p0 =	sne.s32 s0, $0x0;
	s0 =	rddreg [dreg:$0x2]  }
0x7f: {  	s0 =	sadd.s32 @!p0 $0x100000, s0  }
0x80: {  	[sflag:s0] =	ssyncadd.tile.s32 @!p0 $0x1;
	_ =	shalt  }
.Lfunc_end2:
_tile_overlayer_lowered:
.L_overlay_start_2:
0x81: {  	(tag) =	ssettag $0x2  }
0x82: {  	s0 =	rddreg [dreg:$0x0];
	s2 =	stileid.u32  }
0x83: {  	s1 =	rddreg [dreg:$0x1];
	p0 =	sne.s32 s2, $0x0  }
0x84: {  	s3 =	rddreg [dreg:$0x2];
	[bflag:$0x3] =	sbarrier.arrive $0xFFFF;
	s2 =	simm.s32 @!p0 $0x1C11  }
0x85: {  	[timem:s3], [sflag:s2] =	dma.local @!p0 [hbm:s0], s1  }
0x86: {  	s0 =	simm.s32 @!p0 $0x11  }
0x87: {  	_ =	swait.ge @!p0 [sflag:s0], s1  }
0x88: {  	s1 =	ssub.s32 @!p0 $0x0, s1;
	[sflag:s0] =	ssyncset.done @!p0 $0x0  }
0x89: {  	[sflag:s0] =	ssyncadd.s32 @!p0 s1  }
0x8a: {  	[bflag:$0x3] =	sbarrier.arrive $0xFFFF  }
0x8b: {  	_ =	shalt  }

// kernel: sparse-core-data-format-call.cloned.1.call-start
scs
called_computation_lowered:
.L_overlay_start_0:
0x0: {  	s2 =	sld [smem:$0x3FD9]  }
0x1: {  	s3 =	sld [smem:$0x3FFE];
	_ =	sdelay $0x1  }
0x2: {  	s1 =	srdreg.scid  }
0x3: {  	s0 =	sand.u32 $0x1, s1  }
0x4: {  	s18 =	sshll.u32 s0, $0xA;
	s2 =	sadd.s32 s3, s2  }
0x5: {  	s2 =	sadd.s32 s2, s18  }
0x6: {  	[smem:$0x3FC6] =	sst s2  }
0x7: {  	_ = 	snop  }
0x8: {  	s2 =	sld [smem:$0x3FD0];
	(tm) =	ssettm $0x1  }
0x9: {  	s19 =	sld [smem:$0x3FFB];
	_ =	sdelay $0x3  }
0xa: {  	_ =	strace s19  }
0xb: {  	s3 =	sld [smem:$0x3FFC];
	_ =	sdelay $0x3  }
0xc: {  	_ =	strace s3  }
0xd: {  	s3 =	sld [smem:$0x3FFD];
	_ =	sdelay $0x3  }
0xe: {  	_ =	strace s3  }
0xf: {  	_ =	strace $0x8FFFFFFF  }
0x10: {  	s20 =	sld [smem:$0x3FDB];
	_ =	sdelay $0x1  }
0x11: {  	s4 =	simm.s32 $_scs_section_size  }
0x12: {  	s5 =	simm.s32 $_size__tile_overlayer_lowered;
	s6 =	simm.s32 $_tile_overlayer_lowered  }
0x13: {  	s23 =	simm.s32 $0x1BFF;
	s22 =	sshll.u32 s6, $0x1;
	s3 =	sadd.s32 s4, s20  }
0x14: {  	s7 =	simm.s32 $0x0;
	s21 =	sshll.u32 s5, $0x1;
	s5 =	sadd.s32 s22, s3  }
0x15: {  	[timem:s7], [sflag:s23] =	dma.local [hbm:s5], s21  }
0x16: {  	_ =	swait.ge [sflag:s23], s21  }
0x17: {  	s4 =	ssub.s32 $0x0, s21;
	[sflag:s23] =	ssyncset.done $0x0  }
0x18: {  	[sflag:s23] =	ssyncadd.s32 s4;
	_ =	sdelay $0x1  }
0x19: {  	s24 =	simm.s32 $0x1B8B  }
0x1a: {  	_ =	swait.ge [sflag:s24], $0x1  }
0x1b: {  	[sflag:s24] =	ssyncset.done $0x0  }
0x1c: {  	s26 =	simm.s32 $0x1B8E;
	s25 =	sld [smem:$0x3FFE];
	[sflag:s24] =	ssyncadd.s32 $0xFFFFFFFF  }
0x1d: {  	s27 =	simm.s32 $execute0_lowered;
	[smem:$0x3FD2] =	sst s26  }
0x1e: {  	s5 =	sshll.u32 s27, $0x1;
	_ =	strace $0x80000049;
	[dreg:$0x1] =	wrdreg $0xFFFFFFFF  }
0x1f: {  	s28 =	simm.s32 $_size_execute0_lowered;
	s3 =	sadd.s32 s3, s5;
	[dreg:$0x0] =	wrdreg $0x0  }
0x20: {  	s5 =	sshll.u32 s28, $0x1;
	[dreg:$0x2] =	wrdreg s3  }
0x21: {  	[dreg:$0x3] =	wrdreg s5  }
0x22: {  	[dreg:$0x4] =	wrdreg $0xC0  }
0x23: {  	_ =	task [dreg:s7], $0x5FFFF  }
0x24: {  	[dreg:$0x1] =	wrdreg $0xFFFFFFFF  }
0x25: {  	[dreg:$0x0] =	wrdreg $0x60  }
0x26: {  	[dreg:$0x2] =	wrdreg s25  }
0x27: {  	[dreg:$0x3] =	wrdreg s2  }
0x28: {  	[dreg:$0x4] =	wrdreg $0x9  }
0x29: {  	_ =	task.clear_ibuf [dreg:s7], $0x5FFFF;
	_ =	strace $0x90000049  }
0x2a: {  	s29 =	simm.s32 $0x9;
	_ =	strace $0x8000004B  }
0x2b: {  	_ =	swait.ge [sflag:s29], $0x1  }
0x2c: {  	[sflag:s29] =	ssyncadd.s32 $0xFFFFFFFF  }
0x2d: {  	_ =	strace $0x9000004B  }
0x2e: {  	_ =	sfence  }
0x2f: {  	s30 =	sld [smem:$0x0];
	_ =	sdelay $0x2  }
0x30: {  	s31 =	sshll.u32 s1, $0xD;
	s1 =	sshrl.u32 s1, $0x2  }
0x31: {  	s3 =	sand.u32 $0x4000, s31;
	s1 =	sadd.s32 s1, s30  }
0x32: {  	s0 =	sor.u32 s3, s0;
	s1 =	sshll.u32 s1, $0x11  }
0x33: {  	s0 =	sor.u32 s1, s0  }
0x34: {  	s0 =	sadd.s32 $0x8F2B, s0  }
0x35: {  	[sflag:s0] =	ssyncadd.remote.s32 $0x1  }
0x36: {  	_ =	sfence.sel $0xFFFF  }
0x37: {  	[dreg:$0x0] =	wrdreg $0xFFFFFFFF;
	(pc) =	sbr.abs _section_cstart, $3  }
0x38: {  	[dreg:$0x1] =	wrdreg $0xFFFFFFFF  }
0x39: {  	_ =	task.clear_ibuf [dreg:s7], $0x2FFFF;
	_ =	strace $0x9FFFFFFF  }
0x3a: {  	(tm) =	ssettm $0x7FFFFFFF  }
0x3b: {  	_ =	shalt  }
tec
execute0_lowered:
.L_overlay_start_1:
0x0: {  	(tag) =	ssettag $0x1  }
0x1: {  	s0 =	srdreg.scid  }
0x2: {  	s1 =	sshll.u32 s0, $0x4  }
0x3: {  	s0 =	stileid.u32;
	s1 =	sand.u32 $0x10, s1  }
0x4: {  	s1 =	sor.u32 s0, s1  }
0x5: {  	s6 =	rddreg [dreg:$0x0];
	s4 =	simm.s32 $0x1;
	s2 =	sshll.u32 s1, $0x7  }
0x6: {  	s7 =	simm.s32 $0x2;
	s12 =	simm.s32 $0x0;
	s1 =	ssub.s32 $0x4000, s2  }
0x7: {  	s8 =	simm.s32 $0x20000;
	s13 =	simm.s32 $0x0;
	s3 =	sand.u32 $0xF80, s1  }
0x8: {  	s9 =	simm.s32 $0x0;
	s5 =	sshrl.u32 s1, $0xC;
	p0 =	sne.s32 s3, $0x0  }
.Ltmp0:
0x9: {  	s1 =	rddreg [dreg:$0x2];
	s4 =	simm.s32 @!p0 $0x0;
	(pc) =	sbr.rel .LBB1_1-.Ltmp0, $4  }
0xa: {  	s11 =	simm.s32 $0x0;
	s3 =	rddreg [dreg:$0x1];
	s5 =	sadd.s32 s4, s5  }
0xb: {  	_ =	strace $0x8000004A;
	s4 =	simm.s32 $0x1;
	s5 =	smul.u32 $0x32, s5  }
0xc: {  	s6 =	sadd.s32 $0xA00, s6;
	s10 =	smov.u32 s2;
	[sflag:s4] =	ssyncpa.u1 $0x0  }
0xd: {  	p0 =	por $0x0, $0x0;
	[sflag:s7] =	ssyncpa.u1 $0x0;
	s7 =	sor.u32 $0x1, s5  }
.LBB1_4:
0xe: {  	s16 =	sshll.u32 s13, $0x3;
	s17 =	sand.u32 $0x78, s13  }
0xf: {  	s30 =	sand.u32 $0x1F800, s13;
	s12 =	sshll.u32 s12, $0x11;
	s16 =	sand.u32 $0x3C00, s16  }
0x10: {  	[tilespmem:s15+$0x810 ss:$0x81] =	vst.msk $0xffff, v2;
	s31 =	sand.u32 $0x7, s13;
	s16 =	sor.u32 s17, s16;
	s17 =	sadd.s32 s3, s30  }
0x11: {  	[tilespmem:s15+$0x1020 ss:$0x81] =	vst.msk $0xffff, v0;
	s13 =	sshll.u32 s31, $0x12;
	s12 =	sadd.s32 s12, s17;
	s16 =	sshrl.u32 s16, $0x3  }
0x12: {  	[tilespmem:s15+$0x0 ss:$0x81] =	vst.msk $0xffff, v1;
	s13 =	sor.u32 $0x400, s13;
	s12 =	sadd.s32 s16, s12  }
0x13: {  	[hbm4b:s12+s13] =	stream.strided.scatter [tilespmem:s14], [sflag:$0x2], $0x2000, s8, s13, $0x20;
	[tilespmem:$0x8080] =	vst v63  }
.LBB1_5:
0x14: {  	s14 =	sadd.s32 $0x1, s9  }
0x15: {  	s12 =	sadd.s32 $0x1000, s10;
	s16 =	smov.u32 s10;
	p2 =	sgt.s32 s14, $0x31  }
0x16: {  	s16 =	smov.u32 @p2 s12  }
0x17: {  	s14 =	simm.s32 @p2 $0x0;
	p2 =	sgt.s32 s16, $0x3FFF  }
0x18: {  	s16 =	smov.u32 @p2 s2;
	p2 =	sne.s32 s11, s7  }
.Ltmp1:
0x19: {  	p1 =	slt.u32 s11, $0x2;
	(pc) =	sbr.rel @!p2 .LBB1_6-.Ltmp1, $4  }
0x1a: {  	s15 =	simm.s32 @!p1 $0x2  }
0x1b: {  	s13 =	smov.u32 s10;
	p0 =	por !p0, !p0;
	_ =	swait.ge @!p1 [sflag:s15], $0x2000  }
0x1c: {  	s12 =	smov.u32 s9;
	[sflag:s15] =	ssyncset.done @!p1 $0x0;
	s9 =	smov.u32 s14  }
0x1d: {  	s11 =	sadd.s32 $0x1, s11;
	[sflag:s15] =	ssyncadd.s32 @!p1 $0xFFFFE000;
	s10 =	smov.u32 s16  }
.LBB1_1:
0x1e: {  	p1 =	sge.u32 s11, s5  }
0x1f: {  	s14 =	sand.u32 @!p1 $0x1FFFFFF, s9  }
0x20: {  	s15 =	smulhi.u32 @!p1 $0x4924925, s14;
	_ =	sdelay $0x1  }
0x21: {  	s15 =	smul.u32 @!p1 $0x38, s15  }
0x22: {  	s16 =	sxor.u32 @!p1 $0xFFFFFFFF, s11;
	s17 =	smul.u32 @!p1 $0x380, s10  }
0x23: {  	s31 =	sadd.s32 $0xFFFFFFFF, s11;
	s16 =	sshll.u32 @!p1 s16, $0xD;
	s14 =	ssub.s32 @!p1 s14, s15  }
0x24: {  	s15 =	sand.u32 @!p1 $0x2000, s16;
	s16 =	sadd.s32 @!p1 s6, s17;
	s14 =	sshll.u32 @!p1 s14, $0x4  }
0x25: {  	s17 =	simm.s32 @!p1 $0x1C00;
	s14 =	sadd.s32 @!p1 s14, s16;
	s16 =	simm.s32 @!p1 $0x40  }
0x26: {  	[tilespmem:s15], [sflag:$0x1] =	stream.strided.gather @!p1 [hbm4b:s14+s16], $0x2000, s17, s16, $0x38;
	[tilespmem:$0x8080] =	vst v63  }
0x27: {  	p1 =	sge.u32 s31, s5  }
.Ltmp2:
0x28: {  	_ = 	snop;
	(pc) =	sbr.rel @p1 .LBB1_5-.Ltmp2, $1  }
0x29: {  	_ =	sdelay $0x3  }
0x2a: {  	s14 =	simm.s32 $0x1  }
0x2b: {  	_ =	swait.ge [sflag:s4], $0x2000;
	s14 =	simm.s32 @!p0 $0x0  }
0x2c: {  	[sflag:s4] =	ssyncset.done $0x0;
	s15 =	sshll.u32 s14, $0xD  }
0x2d: {  	[sflag:s4] =	ssyncadd.s32 $0xFFFFE000;
	s18 =	sor.u32 $0x20, s15  }
0x2e: {  	s14 =	smul.u32 $0x8100, s14;
	v3 =	vld [tilespmem:s18+$0x10]  }
0x2f: {  	s30 =	sand.u32 $0x1, s11;
	v2 =	vld [tilespmem:s18+$0xFFFFFFF0]  }
0x30: {  	s15 =	smul.u32 $0x8100, s30;
	s14 =	sshrl.u32 s14, $0x2;
	v0 =	vld [tilespmem:s18+$0x0]  }
0x31: {  	v1 =	vld [tilespmem:s18+$0xFFFFFFE0];
	s16 =	sor.u32 $0x4000, s14  }
0x32: {  	s31 =	sshrl.u32 s15, $0x2;
	s15 =	sadd.s32 $0x0, s16  }
0x33: {  	s17 =	simm.s32 $0x4;
	s18 =	sadd.s32 $0x40, s18;
	s14 =	sor.u32 $0x4000, s31;
	[tilespmem:s15+$0x1830 ss:$0x81] =	vst.msk $0xffff, v3  }
.LBB1_3:
0x34: {  	v3 =	vld [tilespmem:s18+$0x10];
	p1 =	sne.s32 s17, $0x1FC;
	[tilespmem:s15+$0x810 ss:$0x81] =	vst.msk $0xffff, v2;
	s19 =	smov.u32 s17;
	s17 =	sadd.s32 $0x4, s17  }
.Ltmp3:
0x35: {  	v2 =	vld [tilespmem:s18+$0xFFFFFFF0];
	[tilespmem:s15+$0x1020 ss:$0x81] =	vst.msk $0xffff, v0;
	(pc) =	sbr.rel @p1 .LBB1_3-.Ltmp3, $4  }
0x36: {  	v0 =	vld [tilespmem:s18+$0x0];
	[tilespmem:s15+$0x0 ss:$0x81] =	vst.msk $0xffff, v1  }
0x37: {  	s15 =	sshra.s32 s19, $0x2;
	v1 =	vld [tilespmem:s18+$0xFFFFFFE0]  }
0x38: {  	s15 =	sadd.s32 s15, s16  }
0x39: {  	s18 =	sadd.s32 $0x40, s18;
	[tilespmem:s15+$0x1830 ss:$0x81] =	vst.msk $0xffff, v3  }
.Ltmp4:
0x3a: {  	_ = 	snop;
	(pc) =	sbr.rel .LBB1_4-.Ltmp4, $1  }
0x3b: {  	_ =	sdelay $0x3  }
.LBB1_6:
0x3c: {  	_ =	sfence.sel $0x180000  }
0x3d: {  	s2 =	simm.s32 $0x1;
	[bflag:$0x0] =	sbarrier.arrive $0xFFFF  }
0x3e: {  	s31 =	simm.s32 $0x2;
	[sflag:s2] =	ssyncpa.u1 $0x1  }
0x3f: {  	[sflag:s31] =	ssyncpa.u1 $0x1  }
0x40: {  	p0 =	sne.s32 s0, $0x0;
	_ =	strace $0x9000004A  }
0x41: {  	s0 =	sadd.s32 @!p0 $0x100000, s1;
	[bflag:$0x2] =	sbarrier.arrive $0xFFFF  }
0x42: {  	[sflag:s0] =	ssyncadd.tile.s32 @!p0 $0x1;
	_ =	shalt  }
.Lfunc_end1:
_tile_overlayer_lowered:
.L_overlay_start_2:
0x43: {  	(tag) =	ssettag $0x2  }
0x44: {  	s0 =	rddreg [dreg:$0x0];
	s2 =	stileid.u32  }
0x45: {  	s1 =	rddreg [dreg:$0x1];
	p0 =	sne.s32 s2, $0x0  }
0x46: {  	s3 =	rddreg [dreg:$0x2];
	[bflag:$0x3] =	sbarrier.arrive $0xFFFF;
	s2 =	simm.s32 @!p0 $0x1C01  }
0x47: {  	[timem:s3], [sflag:s2] =	dma.local @!p0 [hbm:s0], s1  }
0x48: {  	s0 =	simm.s32 @!p0 $0x1  }
0x49: {  	_ =	swait.ge @!p0 [sflag:s0], s1  }
0x4a: {  	s1 =	ssub.s32 @!p0 $0x0, s1;
	[sflag:s0] =	ssyncset.done @!p0 $0x0  }
0x4b: {  	[sflag:s0] =	ssyncadd.s32 @!p0 s1  }
0x4c: {  	[bflag:$0x3] =	sbarrier.arrive $0xFFFF  }
0x4d: {  	_ =	shalt  }

</sc_bundles>
